<compile_context>
chip_gen: v7x
topology: tpu7x:2x2x1
jax: 0.10.2.dev20260603
libtpu: 0.0.44.dev20260713+nightly
codegen_flags: <defaults>
</compile_context>

<pallas_src>
import functools

import jax
import jax.numpy as jnp
from jax import lax
from jax.experimental import pallas as pl
from jax.experimental.pallas import tpu as pltpu
from jax.experimental.pallas import tpu_sc as plsc

B, V, K, D = 4, 100000, 16, 3
ROW = 16
BD = B * D
C = 128
NW = 32
CPW = 25
CHUNKS = NW * CPW
VPAD = CHUNKS * C
G = (C * K) // 128


def _sc_lap_sq(dT, idx_g, w_pad):
    mesh = plsc.VectorSubcoreMesh(core_axis_name="c", subcore_axis_name="s")

    @functools.partial(
        pl.kernel,
        mesh=mesh,
        out_type=jax.ShapeDtypeStruct((VPAD, ROW), jnp.float32),
        compiler_params=pltpu.CompilerParams(use_tc_tiling_on_sc=False),
        scratch_types=[
            pltpu.VMEM((G, 128), jnp.int32),
            pltpu.VMEM((C, K), jnp.float32),
            pltpu.VMEM((C, ROW), jnp.float32),
            pltpu.VMEM((C * K, ROW), jnp.float32),
            pltpu.VMEM((C, ROW), jnp.float32),
            pltpu.SemaphoreType.DMA,
        ],
    )
    def k(dT_hbm, idxg_hbm, w_hbm, out_hbm, idx_v, w_v, self_v, rows_v,
          out_v, sem):
        wid = lax.axis_index("s") * 2 + lax.axis_index("c")

        def chunk_body(ci, carry):
            chunk = wid * CPW + ci
            base = chunk * C
            pltpu.sync_copy(idxg_hbm.at[pl.ds(chunk * G, G)], idx_v)
            pltpu.sync_copy(w_hbm.at[pl.ds(base, C)], w_v)
            pltpu.sync_copy(dT_hbm.at[pl.ds(base, C)], self_v)
            cps = [
                pltpu.async_copy(dT_hbm.at[idx_v.at[j]],
                                 rows_v.at[pl.ds(j * 128, 128)], sem)
                for j in range(G)
            ]
            for cp in cps:
                cp.wait()

            def body(i, c):
                wrow = w_v[i]
                acc = self_v[i]
                for kk in range(K):
                    acc = acc + wrow[kk] * rows_v[i * K + kk]
                out_v[i] = acc * acc
                return c

            lax.fori_loop(0, C, body, 0)
            pltpu.sync_copy(out_v, out_hbm.at[pl.ds(base, C)])
            return carry

        lax.fori_loop(0, CPW, chunk_body, 0)

    return k(dT, idx_g, w_pad)


def kernel(out, tgt, neighbor_idxs, neighbor_weights):
    d = (out - tgt).transpose(1, 0, 2).reshape(V, BD)
    dT = jnp.zeros((VPAD, ROW), jnp.float32).at[:V, :BD].set(d)
    idx_pad = jnp.zeros((VPAD, K), jnp.int32).at[:V].set(neighbor_idxs)
    idx_g = idx_pad.reshape(CHUNKS * G, 128)
    w_pad = jnp.zeros((VPAD, K), jnp.float32).at[:V].set(neighbor_weights)
    res = _sc_lap_sq(dT, idx_g, w_pad)
    return res[:V, :BD].reshape(V, B, D).transpose(1, 0, 2)

# --- scband reference (transcript-rebuilt; emitter-appended) ---
"""Pipeline reference for scband-laplacian-reg-42838003810614 (READ-ONLY COPY).

The authoritative reference and input builder live on the scoring server;
editing this copy changes nothing except your own understanding.
"""

import jax, jax.numpy as jnp
import numpy as np

B = 4
V = 100000
K = 16
D = 3


def setup_inputs(seed: int = 0) -> dict:
    key = jax.random.key(seed)
    k1, k2, k3, k4 = jax.random.split(key, 4)
    out = jax.random.normal(k1, (B, V, D), dtype=jnp.float32)
    tgt = jax.random.normal(k2, (B, V, D), dtype=jnp.float32)
    # neighbor structure normally derived from mesh faces via get_neighbor();
    # here simulated: K random neighbors per vertex, negative weights summing ~ -1
    neighbor_idxs = jax.random.randint(k3, (V, K), 0, V, dtype=jnp.int32)
    neighbor_weights = -jax.random.uniform(k4, (V, K), dtype=jnp.float32) * (2.0 / K)
    return {"out": out, "tgt": tgt, "neighbor_idxs": neighbor_idxs, "neighbor_weights": neighbor_weights}


def compute_laplacian(x, neighbor_idxs, neighbor_weights):
    # x: [B, V, D]; x[:, neighbor_idxs] -> [B, V, K, D]
    gathered = jnp.take(x, neighbor_idxs, axis=1)
    lap = x + (gathered * neighbor_weights[None, :, :, None]).sum(axis=2)
    return lap


def reference(out, tgt, neighbor_idxs, neighbor_weights):
    lap_out = compute_laplacian(out, neighbor_idxs, neighbor_weights)
    lap_tgt = compute_laplacian(tgt, neighbor_idxs, neighbor_weights)
    loss = (lap_out - lap_tgt) ** 2
    return loss

if __name__ == "__main__":
    import jax
    _d = setup_inputs()
    print(jax.jit(kernel)(*tuple(_d.values())))

</pallas_src>

<mosaic_0001>
#map = affine_map<(d0, d1) -> (0, 0)>
module attributes {stable_mosaic.version = 14 : i64} {
  func.func @k(%arg0: i32, %arg1: i32, %arg2: memref<102400x16xf32, #tpu.memory_space<hbm>>, %arg3: memref<12800x128xi32, #tpu.memory_space<hbm>>, %arg4: memref<102400x16xf32, #tpu.memory_space<hbm>>, %arg5: memref<102400x16xf32, #tpu.memory_space<hbm>>, %arg6: memref<16x128xi32, #tpu.memory_space<vmem>>, %arg7: memref<128x16xf32, #tpu.memory_space<vmem>>, %arg8: memref<128x16xf32, #tpu.memory_space<vmem>>, %arg9: memref<2048x16xf32, #tpu.memory_space<vmem>>, %arg10: memref<128x16xf32, #tpu.memory_space<vmem>>, %arg11: memref<!tpu.dma_semaphore, #tpu.memory_space<semaphore_mem>>) attributes {dimension_semantics = [#tpu.dimension_semantics<core_parallel>, #tpu.dimension_semantics<subcore_parallel>], iteration_bounds = array<i64: 2, 16>, scalar_prefetch = 0 : i64, scratch_operands = 6 : i64, tpu.core_type = #tpu.core_type<sc_vector_subcore>, window_params = [{transform_indices = #map}, {transform_indices = #map}, {transform_indices = #map}, {transform_indices = #map}]} {
    %mul3A = arith.constant 2 : i32
    %mul3A_0 = arith.muli %arg1, %mul3A : i32
    %add3A = arith.addi %mul3A_0, %arg0 : i32
    %scan3A = arith.constant 0 : i32
    %scan3A_1 = arith.constant 0 : i32
    %scan3A_2 = arith.constant 25 : i32
    %scan3A_3 = arith.addi %scan3A_1, %scan3A_2 : i32
    %scan3A_4 = arith.constant 1 : i32
    scf.for %scan3A_6 = %scan3A_1 to %scan3A_3 step %scan3A_4  : i32 {
      %mul3A_7 = arith.constant 25 : i32
      %mul3A_8 = arith.muli %add3A, %mul3A_7 : i32
      %add3A_9 = arith.addi %mul3A_8, %scan3A_6 : i32
      %mul3A_10 = arith.constant 128 : i32
      %mul3A_11 = arith.muli %add3A_9, %mul3A_10 : i32
      %mul3A_12 = arith.constant 16 : i32
      %mul3A_13 = arith.muli %add3A_9, %mul3A_12 : i32
      "tpu.region"() ({
        %run_scoped3A = tpu.sem_alloc : memref<!tpu.dma_semaphore, #tpu.memory_space<semaphore_mem>>
        %dma_start3A_338 = arith.constant 0 : i32
        %dma_start3A_339 = tpu.memref_slice %arg3[%mul3A_13, %dma_start3A_338] : memref<12800x128xi32, #tpu.memory_space<hbm>> -> memref<16x128xi32, #tpu.memory_space<hbm>>
        %dma_start3A_340 = arith.constant 0 : i32
        %dma_start3A_341 = tpu.memref_slice %arg3[%mul3A_13, %dma_start3A_340] : memref<12800x128xi32, #tpu.memory_space<hbm>> -> memref<16x128xi32, #tpu.memory_space<hbm>>
        tpu.enqueue_dma source(%dma_start3A_341 : memref<16x128xi32, #tpu.memory_space<hbm>>) target(%arg6 : memref<16x128xi32, #tpu.memory_space<vmem>>) target_semaphore(%run_scoped3A : memref<!tpu.dma_semaphore, #tpu.memory_space<semaphore_mem>>)
        %dma_wait3A_342 = arith.constant 0 : i32
        %dma_wait3A_343 = tpu.memref_slice %arg3[%mul3A_13, %dma_wait3A_342] : memref<12800x128xi32, #tpu.memory_space<hbm>> -> memref<16x128xi32, #tpu.memory_space<hbm>>
        %dma_wait3A_344 = arith.constant 0 : i32
        %dma_wait3A_345 = tpu.memref_slice %arg3[%mul3A_13, %dma_wait3A_344] : memref<12800x128xi32, #tpu.memory_space<hbm>> -> memref<16x128xi32, #tpu.memory_space<hbm>>
        tpu.wait_dma2 semaphore(%run_scoped3A : memref<!tpu.dma_semaphore, #tpu.memory_space<semaphore_mem>>) src(%dma_wait3A_345 : memref<16x128xi32, #tpu.memory_space<hbm>>) dst(%arg6 : memref<16x128xi32, #tpu.memory_space<vmem>>)
        tpu.yield
      }) : () -> ()
      "tpu.region"() ({
        %run_scoped3A = tpu.sem_alloc : memref<!tpu.dma_semaphore, #tpu.memory_space<semaphore_mem>>
        %dma_start3A_338 = arith.constant 0 : i32
        %dma_start3A_339 = tpu.memref_slice %arg4[%mul3A_11, %dma_start3A_338] : memref<102400x16xf32, #tpu.memory_space<hbm>> -> memref<128x16xf32, #tpu.memory_space<hbm>>
        %dma_start3A_340 = arith.constant 0 : i32
        %dma_start3A_341 = tpu.memref_slice %arg4[%mul3A_11, %dma_start3A_340] : memref<102400x16xf32, #tpu.memory_space<hbm>> -> memref<128x16xf32, #tpu.memory_space<hbm>>
        tpu.enqueue_dma source(%dma_start3A_341 : memref<128x16xf32, #tpu.memory_space<hbm>>) target(%arg7 : memref<128x16xf32, #tpu.memory_space<vmem>>) target_semaphore(%run_scoped3A : memref<!tpu.dma_semaphore, #tpu.memory_space<semaphore_mem>>)
        %dma_wait3A_342 = arith.constant 0 : i32
        %dma_wait3A_343 = tpu.memref_slice %arg4[%mul3A_11, %dma_wait3A_342] : memref<102400x16xf32, #tpu.memory_space<hbm>> -> memref<128x16xf32, #tpu.memory_space<hbm>>
        %dma_wait3A_344 = arith.constant 0 : i32
        %dma_wait3A_345 = tpu.memref_slice %arg4[%mul3A_11, %dma_wait3A_344] : memref<102400x16xf32, #tpu.memory_space<hbm>> -> memref<128x16xf32, #tpu.memory_space<hbm>>
        tpu.wait_dma2 semaphore(%run_scoped3A : memref<!tpu.dma_semaphore, #tpu.memory_space<semaphore_mem>>) src(%dma_wait3A_345 : memref<128x16xf32, #tpu.memory_space<hbm>>) dst(%arg7 : memref<128x16xf32, #tpu.memory_space<vmem>>)
        tpu.yield
      }) : () -> ()
      "tpu.region"() ({
        %run_scoped3A = tpu.sem_alloc : memref<!tpu.dma_semaphore, #tpu.memory_space<semaphore_mem>>
        %dma_start3A_338 = arith.constant 0 : i32
        %dma_start3A_339 = tpu.memref_slice %arg2[%mul3A_11, %dma_start3A_338] : memref<102400x16xf32, #tpu.memory_space<hbm>> -> memref<128x16xf32, #tpu.memory_space<hbm>>
        %dma_start3A_340 = arith.constant 0 : i32
        %dma_start3A_341 = tpu.memref_slice %arg2[%mul3A_11, %dma_start3A_340] : memref<102400x16xf32, #tpu.memory_space<hbm>> -> memref<128x16xf32, #tpu.memory_space<hbm>>
        tpu.enqueue_dma source(%dma_start3A_341 : memref<128x16xf32, #tpu.memory_space<hbm>>) target(%arg8 : memref<128x16xf32, #tpu.memory_space<vmem>>) target_semaphore(%run_scoped3A : memref<!tpu.dma_semaphore, #tpu.memory_space<semaphore_mem>>)
        %dma_wait3A_342 = arith.constant 0 : i32
        %dma_wait3A_343 = tpu.memref_slice %arg2[%mul3A_11, %dma_wait3A_342] : memref<102400x16xf32, #tpu.memory_space<hbm>> -> memref<128x16xf32, #tpu.memory_space<hbm>>
        %dma_wait3A_344 = arith.constant 0 : i32
        %dma_wait3A_345 = tpu.memref_slice %arg2[%mul3A_11, %dma_wait3A_344] : memref<102400x16xf32, #tpu.memory_space<hbm>> -> memref<128x16xf32, #tpu.memory_space<hbm>>
        tpu.wait_dma2 semaphore(%run_scoped3A : memref<!tpu.dma_semaphore, #tpu.memory_space<semaphore_mem>>) src(%dma_wait3A_345 : memref<128x16xf32, #tpu.memory_space<hbm>>) dst(%arg8 : memref<128x16xf32, #tpu.memory_space<vmem>>)
        tpu.yield
      }) : () -> ()
      %dma_start3A = arith.constant 0 : i32
      %dma_start3A_14 = arith.constant 0 : i32
      %dma_start3A_15 = arith.constant 0 : i32
      %dma_start3A_16 = tpu.memref_slice %arg9[%dma_start3A_14, %dma_start3A_15] : memref<2048x16xf32, #tpu.memory_space<vmem>> -> memref<128x16xf32, #tpu.memory_space<vmem>>
      %dma_start3A_17 = arith.constant 0 : i32
      %dma_start3A_18 = tpu.memref_slice %arg6[%dma_start3A, %dma_start3A_17] : memref<16x128xi32, #tpu.memory_space<vmem>> -> memref<1x128xi32, #tpu.memory_space<vmem>>
      %dma_start3A_19 = tpu.memref_squeeze %dma_start3A_18 : memref<1x128xi32, #tpu.memory_space<vmem>> -> memref<128xi32, #tpu.memory_space<vmem>>
      %dma_start3A_20 = arith.constant 0 : i32
      %dma_start3A_21 = arith.constant 0 : i32
      %dma_start3A_22 = tpu.memref_slice %arg2[%dma_start3A_20, %dma_start3A_21] : memref<102400x16xf32, #tpu.memory_space<hbm>> -> memref<102400x16xf32, #tpu.memory_space<hbm>>
      tpu.enqueue_indirect_dma source(%dma_start3A_22 : memref<102400x16xf32, #tpu.memory_space<hbm>>) target(%dma_start3A_16 : memref<128x16xf32, #tpu.memory_space<vmem>>) offsets(%dma_start3A_19 : memref<128xi32, #tpu.memory_space<vmem>>) semaphore(%arg11 : memref<!tpu.dma_semaphore, #tpu.memory_space<semaphore_mem>>)
      %dma_start3A_23 = arith.constant 1 : i32
      %dma_start3A_24 = arith.constant 128 : i32
      %dma_start3A_25 = arith.constant 0 : i32
      %dma_start3A_26 = tpu.memref_slice %arg9[%dma_start3A_24, %dma_start3A_25] : memref<2048x16xf32, #tpu.memory_space<vmem>> -> memref<128x16xf32, #tpu.memory_space<vmem>>
      %dma_start3A_27 = arith.constant 0 : i32
      %dma_start3A_28 = tpu.memref_slice %arg6[%dma_start3A_23, %dma_start3A_27] : memref<16x128xi32, #tpu.memory_space<vmem>> -> memref<1x128xi32, #tpu.memory_space<vmem>>
      %dma_start3A_29 = tpu.memref_squeeze %dma_start3A_28 : memref<1x128xi32, #tpu.memory_space<vmem>> -> memref<128xi32, #tpu.memory_space<vmem>>
      %dma_start3A_30 = arith.constant 0 : i32
      %dma_start3A_31 = arith.constant 0 : i32
      %dma_start3A_32 = tpu.memref_slice %arg2[%dma_start3A_30, %dma_start3A_31] : memref<102400x16xf32, #tpu.memory_space<hbm>> -> memref<102400x16xf32, #tpu.memory_space<hbm>>
      tpu.enqueue_indirect_dma source(%dma_start3A_32 : memref<102400x16xf32, #tpu.memory_space<hbm>>) target(%dma_start3A_26 : memref<128x16xf32, #tpu.memory_space<vmem>>) offsets(%dma_start3A_29 : memref<128xi32, #tpu.memory_space<vmem>>) semaphore(%arg11 : memref<!tpu.dma_semaphore, #tpu.memory_space<semaphore_mem>>)
      %dma_start3A_33 = arith.constant 2 : i32
      %dma_start3A_34 = arith.constant 256 : i32
      %dma_start3A_35 = arith.constant 0 : i32
      %dma_start3A_36 = tpu.memref_slice %arg9[%dma_start3A_34, %dma_start3A_35] : memref<2048x16xf32, #tpu.memory_space<vmem>> -> memref<128x16xf32, #tpu.memory_space<vmem>>
      %dma_start3A_37 = arith.constant 0 : i32
      %dma_start3A_38 = tpu.memref_slice %arg6[%dma_start3A_33, %dma_start3A_37] : memref<16x128xi32, #tpu.memory_space<vmem>> -> memref<1x128xi32, #tpu.memory_space<vmem>>
      %dma_start3A_39 = tpu.memref_squeeze %dma_start3A_38 : memref<1x128xi32, #tpu.memory_space<vmem>> -> memref<128xi32, #tpu.memory_space<vmem>>
      %dma_start3A_40 = arith.constant 0 : i32
      %dma_start3A_41 = arith.constant 0 : i32
      %dma_start3A_42 = tpu.memref_slice %arg2[%dma_start3A_40, %dma_start3A_41] : memref<102400x16xf32, #tpu.memory_space<hbm>> -> memref<102400x16xf32, #tpu.memory_space<hbm>>
      tpu.enqueue_indirect_dma source(%dma_start3A_42 : memref<102400x16xf32, #tpu.memory_space<hbm>>) target(%dma_start3A_36 : memref<128x16xf32, #tpu.memory_space<vmem>>) offsets(%dma_start3A_39 : memref<128xi32, #tpu.memory_space<vmem>>) semaphore(%arg11 : memref<!tpu.dma_semaphore, #tpu.memory_space<semaphore_mem>>)
      %dma_start3A_43 = arith.constant 3 : i32
      %dma_start3A_44 = arith.constant 384 : i32
      %dma_start3A_45 = arith.constant 0 : i32
      %dma_start3A_46 = tpu.memref_slice %arg9[%dma_start3A_44, %dma_start3A_45] : memref<2048x16xf32, #tpu.memory_space<vmem>> -> memref<128x16xf32, #tpu.memory_space<vmem>>
      %dma_start3A_47 = arith.constant 0 : i32
      %dma_start3A_48 = tpu.memref_slice %arg6[%dma_start3A_43, %dma_start3A_47] : memref<16x128xi32, #tpu.memory_space<vmem>> -> memref<1x128xi32, #tpu.memory_space<vmem>>
      %dma_start3A_49 = tpu.memref_squeeze %dma_start3A_48 : memref<1x128xi32, #tpu.memory_space<vmem>> -> memref<128xi32, #tpu.memory_space<vmem>>
      %dma_start3A_50 = arith.constant 0 : i32
      %dma_start3A_51 = arith.constant 0 : i32
      %dma_start3A_52 = tpu.memref_slice %arg2[%dma_start3A_50, %dma_start3A_51] : memref<102400x16xf32, #tpu.memory_space<hbm>> -> memref<102400x16xf32, #tpu.memory_space<hbm>>
      tpu.enqueue_indirect_dma source(%dma_start3A_52 : memref<102400x16xf32, #tpu.memory_space<hbm>>) target(%dma_start3A_46 : memref<128x16xf32, #tpu.memory_space<vmem>>) offsets(%dma_start3A_49 : memref<128xi32, #tpu.memory_space<vmem>>) semaphore(%arg11 : memref<!tpu.dma_semaphore, #tpu.memory_space<semaphore_mem>>)
      %dma_start3A_53 = arith.constant 4 : i32
      %dma_start3A_54 = arith.constant 512 : i32
      %dma_start3A_55 = arith.constant 0 : i32
      %dma_start3A_56 = tpu.memref_slice %arg9[%dma_start3A_54, %dma_start3A_55] : memref<2048x16xf32, #tpu.memory_space<vmem>> -> memref<128x16xf32, #tpu.memory_space<vmem>>
      %dma_start3A_57 = arith.constant 0 : i32
      %dma_start3A_58 = tpu.memref_slice %arg6[%dma_start3A_53, %dma_start3A_57] : memref<16x128xi32, #tpu.memory_space<vmem>> -> memref<1x128xi32, #tpu.memory_space<vmem>>
      %dma_start3A_59 = tpu.memref_squeeze %dma_start3A_58 : memref<1x128xi32, #tpu.memory_space<vmem>> -> memref<128xi32, #tpu.memory_space<vmem>>
      %dma_start3A_60 = arith.constant 0 : i32
      %dma_start3A_61 = arith.constant 0 : i32
      %dma_start3A_62 = tpu.memref_slice %arg2[%dma_start3A_60, %dma_start3A_61] : memref<102400x16xf32, #tpu.memory_space<hbm>> -> memref<102400x16xf32, #tpu.memory_space<hbm>>
      tpu.enqueue_indirect_dma source(%dma_start3A_62 : memref<102400x16xf32, #tpu.memory_space<hbm>>) target(%dma_start3A_56 : memref<128x16xf32, #tpu.memory_space<vmem>>) offsets(%dma_start3A_59 : memref<128xi32, #tpu.memory_space<vmem>>) semaphore(%arg11 : memref<!tpu.dma_semaphore, #tpu.memory_space<semaphore_mem>>)
      %dma_start3A_63 = arith.constant 5 : i32
      %dma_start3A_64 = arith.constant 640 : i32
      %dma_start3A_65 = arith.constant 0 : i32
      %dma_start3A_66 = tpu.memref_slice %arg9[%dma_start3A_64, %dma_start3A_65] : memref<2048x16xf32, #tpu.memory_space<vmem>> -> memref<128x16xf32, #tpu.memory_space<vmem>>
      %dma_start3A_67 = arith.constant 0 : i32
      %dma_start3A_68 = tpu.memref_slice %arg6[%dma_start3A_63, %dma_start3A_67] : memref<16x128xi32, #tpu.memory_space<vmem>> -> memref<1x128xi32, #tpu.memory_space<vmem>>
      %dma_start3A_69 = tpu.memref_squeeze %dma_start3A_68 : memref<1x128xi32, #tpu.memory_space<vmem>> -> memref<128xi32, #tpu.memory_space<vmem>>
      %dma_start3A_70 = arith.constant 0 : i32
      %dma_start3A_71 = arith.constant 0 : i32
      %dma_start3A_72 = tpu.memref_slice %arg2[%dma_start3A_70, %dma_start3A_71] : memref<102400x16xf32, #tpu.memory_space<hbm>> -> memref<102400x16xf32, #tpu.memory_space<hbm>>
      tpu.enqueue_indirect_dma source(%dma_start3A_72 : memref<102400x16xf32, #tpu.memory_space<hbm>>) target(%dma_start3A_66 : memref<128x16xf32, #tpu.memory_space<vmem>>) offsets(%dma_start3A_69 : memref<128xi32, #tpu.memory_space<vmem>>) semaphore(%arg11 : memref<!tpu.dma_semaphore, #tpu.memory_space<semaphore_mem>>)
      %dma_start3A_73 = arith.constant 6 : i32
      %dma_start3A_74 = arith.constant 768 : i32
      %dma_start3A_75 = arith.constant 0 : i32
      %dma_start3A_76 = tpu.memref_slice %arg9[%dma_start3A_74, %dma_start3A_75] : memref<2048x16xf32, #tpu.memory_space<vmem>> -> memref<128x16xf32, #tpu.memory_space<vmem>>
      %dma_start3A_77 = arith.constant 0 : i32
      %dma_start3A_78 = tpu.memref_slice %arg6[%dma_start3A_73, %dma_start3A_77] : memref<16x128xi32, #tpu.memory_space<vmem>> -> memref<1x128xi32, #tpu.memory_space<vmem>>
      %dma_start3A_79 = tpu.memref_squeeze %dma_start3A_78 : memref<1x128xi32, #tpu.memory_space<vmem>> -> memref<128xi32, #tpu.memory_space<vmem>>
      %dma_start3A_80 = arith.constant 0 : i32
      %dma_start3A_81 = arith.constant 0 : i32
      %dma_start3A_82 = tpu.memref_slice %arg2[%dma_start3A_80, %dma_start3A_81] : memref<102400x16xf32, #tpu.memory_space<hbm>> -> memref<102400x16xf32, #tpu.memory_space<hbm>>
      tpu.enqueue_indirect_dma source(%dma_start3A_82 : memref<102400x16xf32, #tpu.memory_space<hbm>>) target(%dma_start3A_76 : memref<128x16xf32, #tpu.memory_space<vmem>>) offsets(%dma_start3A_79 : memref<128xi32, #tpu.memory_space<vmem>>) semaphore(%arg11 : memref<!tpu.dma_semaphore, #tpu.memory_space<semaphore_mem>>)
      %dma_start3A_83 = arith.constant 7 : i32
      %dma_start3A_84 = arith.constant 896 : i32
      %dma_start3A_85 = arith.constant 0 : i32
      %dma_start3A_86 = tpu.memref_slice %arg9[%dma_start3A_84, %dma_start3A_85] : memref<2048x16xf32, #tpu.memory_space<vmem>> -> memref<128x16xf32, #tpu.memory_space<vmem>>
      %dma_start3A_87 = arith.constant 0 : i32
      %dma_start3A_88 = tpu.memref_slice %arg6[%dma_start3A_83, %dma_start3A_87] : memref<16x128xi32, #tpu.memory_space<vmem>> -> memref<1x128xi32, #tpu.memory_space<vmem>>
      %dma_start3A_89 = tpu.memref_squeeze %dma_start3A_88 : memref<1x128xi32, #tpu.memory_space<vmem>> -> memref<128xi32, #tpu.memory_space<vmem>>
      %dma_start3A_90 = arith.constant 0 : i32
      %dma_start3A_91 = arith.constant 0 : i32
      %dma_start3A_92 = tpu.memref_slice %arg2[%dma_start3A_90, %dma_start3A_91] : memref<102400x16xf32, #tpu.memory_space<hbm>> -> memref<102400x16xf32, #tpu.memory_space<hbm>>
      tpu.enqueue_indirect_dma source(%dma_start3A_92 : memref<102400x16xf32, #tpu.memory_space<hbm>>) target(%dma_start3A_86 : memref<128x16xf32, #tpu.memory_space<vmem>>) offsets(%dma_start3A_89 : memref<128xi32, #tpu.memory_space<vmem>>) semaphore(%arg11 : memref<!tpu.dma_semaphore, #tpu.memory_space<semaphore_mem>>)
      %dma_start3A_93 = arith.constant 8 : i32
      %dma_start3A_94 = arith.constant 1024 : i32
      %dma_start3A_95 = arith.constant 0 : i32
      %dma_start3A_96 = tpu.memref_slice %arg9[%dma_start3A_94, %dma_start3A_95] : memref<2048x16xf32, #tpu.memory_space<vmem>> -> memref<128x16xf32, #tpu.memory_space<vmem>>
      %dma_start3A_97 = arith.constant 0 : i32
      %dma_start3A_98 = tpu.memref_slice %arg6[%dma_start3A_93, %dma_start3A_97] : memref<16x128xi32, #tpu.memory_space<vmem>> -> memref<1x128xi32, #tpu.memory_space<vmem>>
      %dma_start3A_99 = tpu.memref_squeeze %dma_start3A_98 : memref<1x128xi32, #tpu.memory_space<vmem>> -> memref<128xi32, #tpu.memory_space<vmem>>
      %dma_start3A_100 = arith.constant 0 : i32
      %dma_start3A_101 = arith.constant 0 : i32
      %dma_start3A_102 = tpu.memref_slice %arg2[%dma_start3A_100, %dma_start3A_101] : memref<102400x16xf32, #tpu.memory_space<hbm>> -> memref<102400x16xf32, #tpu.memory_space<hbm>>
      tpu.enqueue_indirect_dma source(%dma_start3A_102 : memref<102400x16xf32, #tpu.memory_space<hbm>>) target(%dma_start3A_96 : memref<128x16xf32, #tpu.memory_space<vmem>>) offsets(%dma_start3A_99 : memref<128xi32, #tpu.memory_space<vmem>>) semaphore(%arg11 : memref<!tpu.dma_semaphore, #tpu.memory_space<semaphore_mem>>)
      %dma_start3A_103 = arith.constant 9 : i32
      %dma_start3A_104 = arith.constant 1152 : i32
      %dma_start3A_105 = arith.constant 0 : i32
      %dma_start3A_106 = tpu.memref_slice %arg9[%dma_start3A_104, %dma_start3A_105] : memref<2048x16xf32, #tpu.memory_space<vmem>> -> memref<128x16xf32, #tpu.memory_space<vmem>>
      %dma_start3A_107 = arith.constant 0 : i32
      %dma_start3A_108 = tpu.memref_slice %arg6[%dma_start3A_103, %dma_start3A_107] : memref<16x128xi32, #tpu.memory_space<vmem>> -> memref<1x128xi32, #tpu.memory_space<vmem>>
      %dma_start3A_109 = tpu.memref_squeeze %dma_start3A_108 : memref<1x128xi32, #tpu.memory_space<vmem>> -> memref<128xi32, #tpu.memory_space<vmem>>
      %dma_start3A_110 = arith.constant 0 : i32
      %dma_start3A_111 = arith.constant 0 : i32
      %dma_start3A_112 = tpu.memref_slice %arg2[%dma_start3A_110, %dma_start3A_111] : memref<102400x16xf32, #tpu.memory_space<hbm>> -> memref<102400x16xf32, #tpu.memory_space<hbm>>
      tpu.enqueue_indirect_dma source(%dma_start3A_112 : memref<102400x16xf32, #tpu.memory_space<hbm>>) target(%dma_start3A_106 : memref<128x16xf32, #tpu.memory_space<vmem>>) offsets(%dma_start3A_109 : memref<128xi32, #tpu.memory_space<vmem>>) semaphore(%arg11 : memref<!tpu.dma_semaphore, #tpu.memory_space<semaphore_mem>>)
      %dma_start3A_113 = arith.constant 10 : i32
      %dma_start3A_114 = arith.constant 1280 : i32
      %dma_start3A_115 = arith.constant 0 : i32
      %dma_start3A_116 = tpu.memref_slice %arg9[%dma_start3A_114, %dma_start3A_115] : memref<2048x16xf32, #tpu.memory_space<vmem>> -> memref<128x16xf32, #tpu.memory_space<vmem>>
      %dma_start3A_117 = arith.constant 0 : i32
      %dma_start3A_118 = tpu.memref_slice %arg6[%dma_start3A_113, %dma_start3A_117] : memref<16x128xi32, #tpu.memory_space<vmem>> -> memref<1x128xi32, #tpu.memory_space<vmem>>
      %dma_start3A_119 = tpu.memref_squeeze %dma_start3A_118 : memref<1x128xi32, #tpu.memory_space<vmem>> -> memref<128xi32, #tpu.memory_space<vmem>>
      %dma_start3A_120 = arith.constant 0 : i32
      %dma_start3A_121 = arith.constant 0 : i32
      %dma_start3A_122 = tpu.memref_slice %arg2[%dma_start3A_120, %dma_start3A_121] : memref<102400x16xf32, #tpu.memory_space<hbm>> -> memref<102400x16xf32, #tpu.memory_space<hbm>>
      tpu.enqueue_indirect_dma source(%dma_start3A_122 : memref<102400x16xf32, #tpu.memory_space<hbm>>) target(%dma_start3A_116 : memref<128x16xf32, #tpu.memory_space<vmem>>) offsets(%dma_start3A_119 : memref<128xi32, #tpu.memory_space<vmem>>) semaphore(%arg11 : memref<!tpu.dma_semaphore, #tpu.memory_space<semaphore_mem>>)
      %dma_start3A_123 = arith.constant 11 : i32
      %dma_start3A_124 = arith.constant 1408 : i32
      %dma_start3A_125 = arith.constant 0 : i32
      %dma_start3A_126 = tpu.memref_slice %arg9[%dma_start3A_124, %dma_start3A_125] : memref<2048x16xf32, #tpu.memory_space<vmem>> -> memref<128x16xf32, #tpu.memory_space<vmem>>
      %dma_start3A_127 = arith.constant 0 : i32
      %dma_start3A_128 = tpu.memref_slice %arg6[%dma_start3A_123, %dma_start3A_127] : memref<16x128xi32, #tpu.memory_space<vmem>> -> memref<1x128xi32, #tpu.memory_space<vmem>>
      %dma_start3A_129 = tpu.memref_squeeze %dma_start3A_128 : memref<1x128xi32, #tpu.memory_space<vmem>> -> memref<128xi32, #tpu.memory_space<vmem>>
      %dma_start3A_130 = arith.constant 0 : i32
      %dma_start3A_131 = arith.constant 0 : i32
      %dma_start3A_132 = tpu.memref_slice %arg2[%dma_start3A_130, %dma_start3A_131] : memref<102400x16xf32, #tpu.memory_space<hbm>> -> memref<102400x16xf32, #tpu.memory_space<hbm>>
      tpu.enqueue_indirect_dma source(%dma_start3A_132 : memref<102400x16xf32, #tpu.memory_space<hbm>>) target(%dma_start3A_126 : memref<128x16xf32, #tpu.memory_space<vmem>>) offsets(%dma_start3A_129 : memref<128xi32, #tpu.memory_space<vmem>>) semaphore(%arg11 : memref<!tpu.dma_semaphore, #tpu.memory_space<semaphore_mem>>)
      %dma_start3A_133 = arith.constant 12 : i32
      %dma_start3A_134 = arith.constant 1536 : i32
      %dma_start3A_135 = arith.constant 0 : i32
      %dma_start3A_136 = tpu.memref_slice %arg9[%dma_start3A_134, %dma_start3A_135] : memref<2048x16xf32, #tpu.memory_space<vmem>> -> memref<128x16xf32, #tpu.memory_space<vmem>>
      %dma_start3A_137 = arith.constant 0 : i32
      %dma_start3A_138 = tpu.memref_slice %arg6[%dma_start3A_133, %dma_start3A_137] : memref<16x128xi32, #tpu.memory_space<vmem>> -> memref<1x128xi32, #tpu.memory_space<vmem>>
      %dma_start3A_139 = tpu.memref_squeeze %dma_start3A_138 : memref<1x128xi32, #tpu.memory_space<vmem>> -> memref<128xi32, #tpu.memory_space<vmem>>
      %dma_start3A_140 = arith.constant 0 : i32
      %dma_start3A_141 = arith.constant 0 : i32
      %dma_start3A_142 = tpu.memref_slice %arg2[%dma_start3A_140, %dma_start3A_141] : memref<102400x16xf32, #tpu.memory_space<hbm>> -> memref<102400x16xf32, #tpu.memory_space<hbm>>
      tpu.enqueue_indirect_dma source(%dma_start3A_142 : memref<102400x16xf32, #tpu.memory_space<hbm>>) target(%dma_start3A_136 : memref<128x16xf32, #tpu.memory_space<vmem>>) offsets(%dma_start3A_139 : memref<128xi32, #tpu.memory_space<vmem>>) semaphore(%arg11 : memref<!tpu.dma_semaphore, #tpu.memory_space<semaphore_mem>>)
      %dma_start3A_143 = arith.constant 13 : i32
      %dma_start3A_144 = arith.constant 1664 : i32
      %dma_start3A_145 = arith.constant 0 : i32
      %dma_start3A_146 = tpu.memref_slice %arg9[%dma_start3A_144, %dma_start3A_145] : memref<2048x16xf32, #tpu.memory_space<vmem>> -> memref<128x16xf32, #tpu.memory_space<vmem>>
      %dma_start3A_147 = arith.constant 0 : i32
      %dma_start3A_148 = tpu.memref_slice %arg6[%dma_start3A_143, %dma_start3A_147] : memref<16x128xi32, #tpu.memory_space<vmem>> -> memref<1x128xi32, #tpu.memory_space<vmem>>
      %dma_start3A_149 = tpu.memref_squeeze %dma_start3A_148 : memref<1x128xi32, #tpu.memory_space<vmem>> -> memref<128xi32, #tpu.memory_space<vmem>>
      %dma_start3A_150 = arith.constant 0 : i32
      %dma_start3A_151 = arith.constant 0 : i32
      %dma_start3A_152 = tpu.memref_slice %arg2[%dma_start3A_150, %dma_start3A_151] : memref<102400x16xf32, #tpu.memory_space<hbm>> -> memref<102400x16xf32, #tpu.memory_space<hbm>>
      tpu.enqueue_indirect_dma source(%dma_start3A_152 : memref<102400x16xf32, #tpu.memory_space<hbm>>) target(%dma_start3A_146 : memref<128x16xf32, #tpu.memory_space<vmem>>) offsets(%dma_start3A_149 : memref<128xi32, #tpu.memory_space<vmem>>) semaphore(%arg11 : memref<!tpu.dma_semaphore, #tpu.memory_space<semaphore_mem>>)
      %dma_start3A_153 = arith.constant 14 : i32
      %dma_start3A_154 = arith.constant 1792 : i32
      %dma_start3A_155 = arith.constant 0 : i32
      %dma_start3A_156 = tpu.memref_slice %arg9[%dma_start3A_154, %dma_start3A_155] : memref<2048x16xf32, #tpu.memory_space<vmem>> -> memref<128x16xf32, #tpu.memory_space<vmem>>
      %dma_start3A_157 = arith.constant 0 : i32
      %dma_start3A_158 = tpu.memref_slice %arg6[%dma_start3A_153, %dma_start3A_157] : memref<16x128xi32, #tpu.memory_space<vmem>> -> memref<1x128xi32, #tpu.memory_space<vmem>>
      %dma_start3A_159 = tpu.memref_squeeze %dma_start3A_158 : memref<1x128xi32, #tpu.memory_space<vmem>> -> memref<128xi32, #tpu.memory_space<vmem>>
      %dma_start3A_160 = arith.constant 0 : i32
      %dma_start3A_161 = arith.constant 0 : i32
      %dma_start3A_162 = tpu.memref_slice %arg2[%dma_start3A_160, %dma_start3A_161] : memref<102400x16xf32, #tpu.memory_space<hbm>> -> memref<102400x16xf32, #tpu.memory_space<hbm>>
      tpu.enqueue_indirect_dma source(%dma_start3A_162 : memref<102400x16xf32, #tpu.memory_space<hbm>>) target(%dma_start3A_156 : memref<128x16xf32, #tpu.memory_space<vmem>>) offsets(%dma_start3A_159 : memref<128xi32, #tpu.memory_space<vmem>>) semaphore(%arg11 : memref<!tpu.dma_semaphore, #tpu.memory_space<semaphore_mem>>)
      %dma_start3A_163 = arith.constant 15 : i32
      %dma_start3A_164 = arith.constant 1920 : i32
      %dma_start3A_165 = arith.constant 0 : i32
      %dma_start3A_166 = tpu.memref_slice %arg9[%dma_start3A_164, %dma_start3A_165] : memref<2048x16xf32, #tpu.memory_space<vmem>> -> memref<128x16xf32, #tpu.memory_space<vmem>>
      %dma_start3A_167 = arith.constant 0 : i32
      %dma_start3A_168 = tpu.memref_slice %arg6[%dma_start3A_163, %dma_start3A_167] : memref<16x128xi32, #tpu.memory_space<vmem>> -> memref<1x128xi32, #tpu.memory_space<vmem>>
      %dma_start3A_169 = tpu.memref_squeeze %dma_start3A_168 : memref<1x128xi32, #tpu.memory_space<vmem>> -> memref<128xi32, #tpu.memory_space<vmem>>
      %dma_start3A_170 = arith.constant 0 : i32
      %dma_start3A_171 = arith.constant 0 : i32
      %dma_start3A_172 = tpu.memref_slice %arg2[%dma_start3A_170, %dma_start3A_171] : memref<102400x16xf32, #tpu.memory_space<hbm>> -> memref<102400x16xf32, #tpu.memory_space<hbm>>
      tpu.enqueue_indirect_dma source(%dma_start3A_172 : memref<102400x16xf32, #tpu.memory_space<hbm>>) target(%dma_start3A_166 : memref<128x16xf32, #tpu.memory_space<vmem>>) offsets(%dma_start3A_169 : memref<128xi32, #tpu.memory_space<vmem>>) semaphore(%arg11 : memref<!tpu.dma_semaphore, #tpu.memory_space<semaphore_mem>>)
      %dma_wait3A = arith.constant 0 : i32
      %dma_wait3A_173 = arith.constant 0 : i32
      %dma_wait3A_174 = arith.constant 0 : i32
      %dma_wait3A_175 = tpu.memref_slice %arg9[%dma_wait3A_173, %dma_wait3A_174] : memref<2048x16xf32, #tpu.memory_space<vmem>> -> memref<128x16xf32, #tpu.memory_space<vmem>>
      %dma_wait3A_176 = arith.constant 0 : i32
      %dma_wait3A_177 = tpu.memref_slice %arg6[%dma_wait3A, %dma_wait3A_176] : memref<16x128xi32, #tpu.memory_space<vmem>> -> memref<1x128xi32, #tpu.memory_space<vmem>>
      %dma_wait3A_178 = tpu.memref_squeeze %dma_wait3A_177 : memref<1x128xi32, #tpu.memory_space<vmem>> -> memref<128xi32, #tpu.memory_space<vmem>>
      %dma_wait3A_179 = arith.constant 0 : i32
      %dma_wait3A_180 = arith.constant 0 : i32
      %dma_wait3A_181 = tpu.memref_slice %arg2[%dma_wait3A_179, %dma_wait3A_180] : memref<102400x16xf32, #tpu.memory_space<hbm>> -> memref<102400x16xf32, #tpu.memory_space<hbm>>
      tpu.wait_indirect_dma semaphore(%arg11 : memref<!tpu.dma_semaphore, #tpu.memory_space<semaphore_mem>>) src(%dma_wait3A_181 : memref<102400x16xf32, #tpu.memory_space<hbm>>) dst(%dma_wait3A_175 : memref<128x16xf32, #tpu.memory_space<vmem>>)
      %dma_wait3A_182 = arith.constant 1 : i32
      %dma_wait3A_183 = arith.constant 128 : i32
      %dma_wait3A_184 = arith.constant 0 : i32
      %dma_wait3A_185 = tpu.memref_slice %arg9[%dma_wait3A_183, %dma_wait3A_184] : memref<2048x16xf32, #tpu.memory_space<vmem>> -> memref<128x16xf32, #tpu.memory_space<vmem>>
      %dma_wait3A_186 = arith.constant 0 : i32
      %dma_wait3A_187 = tpu.memref_slice %arg6[%dma_wait3A_182, %dma_wait3A_186] : memref<16x128xi32, #tpu.memory_space<vmem>> -> memref<1x128xi32, #tpu.memory_space<vmem>>
      %dma_wait3A_188 = tpu.memref_squeeze %dma_wait3A_187 : memref<1x128xi32, #tpu.memory_space<vmem>> -> memref<128xi32, #tpu.memory_space<vmem>>
      %dma_wait3A_189 = arith.constant 0 : i32
      %dma_wait3A_190 = arith.constant 0 : i32
      %dma_wait3A_191 = tpu.memref_slice %arg2[%dma_wait3A_189, %dma_wait3A_190] : memref<102400x16xf32, #tpu.memory_space<hbm>> -> memref<102400x16xf32, #tpu.memory_space<hbm>>
      tpu.wait_indirect_dma semaphore(%arg11 : memref<!tpu.dma_semaphore, #tpu.memory_space<semaphore_mem>>) src(%dma_wait3A_191 : memref<102400x16xf32, #tpu.memory_space<hbm>>) dst(%dma_wait3A_185 : memref<128x16xf32, #tpu.memory_space<vmem>>)
      %dma_wait3A_192 = arith.constant 2 : i32
      %dma_wait3A_193 = arith.constant 256 : i32
      %dma_wait3A_194 = arith.constant 0 : i32
      %dma_wait3A_195 = tpu.memref_slice %arg9[%dma_wait3A_193, %dma_wait3A_194] : memref<2048x16xf32, #tpu.memory_space<vmem>> -> memref<128x16xf32, #tpu.memory_space<vmem>>
      %dma_wait3A_196 = arith.constant 0 : i32
      %dma_wait3A_197 = tpu.memref_slice %arg6[%dma_wait3A_192, %dma_wait3A_196] : memref<16x128xi32, #tpu.memory_space<vmem>> -> memref<1x128xi32, #tpu.memory_space<vmem>>
      %dma_wait3A_198 = tpu.memref_squeeze %dma_wait3A_197 : memref<1x128xi32, #tpu.memory_space<vmem>> -> memref<128xi32, #tpu.memory_space<vmem>>
      %dma_wait3A_199 = arith.constant 0 : i32
      %dma_wait3A_200 = arith.constant 0 : i32
      %dma_wait3A_201 = tpu.memref_slice %arg2[%dma_wait3A_199, %dma_wait3A_200] : memref<102400x16xf32, #tpu.memory_space<hbm>> -> memref<102400x16xf32, #tpu.memory_space<hbm>>
      tpu.wait_indirect_dma semaphore(%arg11 : memref<!tpu.dma_semaphore, #tpu.memory_space<semaphore_mem>>) src(%dma_wait3A_201 : memref<102400x16xf32, #tpu.memory_space<hbm>>) dst(%dma_wait3A_195 : memref<128x16xf32, #tpu.memory_space<vmem>>)
      %dma_wait3A_202 = arith.constant 3 : i32
      %dma_wait3A_203 = arith.constant 384 : i32
      %dma_wait3A_204 = arith.constant 0 : i32
      %dma_wait3A_205 = tpu.memref_slice %arg9[%dma_wait3A_203, %dma_wait3A_204] : memref<2048x16xf32, #tpu.memory_space<vmem>> -> memref<128x16xf32, #tpu.memory_space<vmem>>
      %dma_wait3A_206 = arith.constant 0 : i32
      %dma_wait3A_207 = tpu.memref_slice %arg6[%dma_wait3A_202, %dma_wait3A_206] : memref<16x128xi32, #tpu.memory_space<vmem>> -> memref<1x128xi32, #tpu.memory_space<vmem>>
      %dma_wait3A_208 = tpu.memref_squeeze %dma_wait3A_207 : memref<1x128xi32, #tpu.memory_space<vmem>> -> memref<128xi32, #tpu.memory_space<vmem>>
      %dma_wait3A_209 = arith.constant 0 : i32
      %dma_wait3A_210 = arith.constant 0 : i32
      %dma_wait3A_211 = tpu.memref_slice %arg2[%dma_wait3A_209, %dma_wait3A_210] : memref<102400x16xf32, #tpu.memory_space<hbm>> -> memref<102400x16xf32, #tpu.memory_space<hbm>>
      tpu.wait_indirect_dma semaphore(%arg11 : memref<!tpu.dma_semaphore, #tpu.memory_space<semaphore_mem>>) src(%dma_wait3A_211 : memref<102400x16xf32, #tpu.memory_space<hbm>>) dst(%dma_wait3A_205 : memref<128x16xf32, #tpu.memory_space<vmem>>)
      %dma_wait3A_212 = arith.constant 4 : i32
      %dma_wait3A_213 = arith.constant 512 : i32
      %dma_wait3A_214 = arith.constant 0 : i32
      %dma_wait3A_215 = tpu.memref_slice %arg9[%dma_wait3A_213, %dma_wait3A_214] : memref<2048x16xf32, #tpu.memory_space<vmem>> -> memref<128x16xf32, #tpu.memory_space<vmem>>
      %dma_wait3A_216 = arith.constant 0 : i32
      %dma_wait3A_217 = tpu.memref_slice %arg6[%dma_wait3A_212, %dma_wait3A_216] : memref<16x128xi32, #tpu.memory_space<vmem>> -> memref<1x128xi32, #tpu.memory_space<vmem>>
      %dma_wait3A_218 = tpu.memref_squeeze %dma_wait3A_217 : memref<1x128xi32, #tpu.memory_space<vmem>> -> memref<128xi32, #tpu.memory_space<vmem>>
      %dma_wait3A_219 = arith.constant 0 : i32
      %dma_wait3A_220 = arith.constant 0 : i32
      %dma_wait3A_221 = tpu.memref_slice %arg2[%dma_wait3A_219, %dma_wait3A_220] : memref<102400x16xf32, #tpu.memory_space<hbm>> -> memref<102400x16xf32, #tpu.memory_space<hbm>>
      tpu.wait_indirect_dma semaphore(%arg11 : memref<!tpu.dma_semaphore, #tpu.memory_space<semaphore_mem>>) src(%dma_wait3A_221 : memref<102400x16xf32, #tpu.memory_space<hbm>>) dst(%dma_wait3A_215 : memref<128x16xf32, #tpu.memory_space<vmem>>)
      %dma_wait3A_222 = arith.constant 5 : i32
      %dma_wait3A_223 = arith.constant 640 : i32
      %dma_wait3A_224 = arith.constant 0 : i32
      %dma_wait3A_225 = tpu.memref_slice %arg9[%dma_wait3A_223, %dma_wait3A_224] : memref<2048x16xf32, #tpu.memory_space<vmem>> -> memref<128x16xf32, #tpu.memory_space<vmem>>
      %dma_wait3A_226 = arith.constant 0 : i32
      %dma_wait3A_227 = tpu.memref_slice %arg6[%dma_wait3A_222, %dma_wait3A_226] : memref<16x128xi32, #tpu.memory_space<vmem>> -> memref<1x128xi32, #tpu.memory_space<vmem>>
      %dma_wait3A_228 = tpu.memref_squeeze %dma_wait3A_227 : memref<1x128xi32, #tpu.memory_space<vmem>> -> memref<128xi32, #tpu.memory_space<vmem>>
      %dma_wait3A_229 = arith.constant 0 : i32
      %dma_wait3A_230 = arith.constant 0 : i32
      %dma_wait3A_231 = tpu.memref_slice %arg2[%dma_wait3A_229, %dma_wait3A_230] : memref<102400x16xf32, #tpu.memory_space<hbm>> -> memref<102400x16xf32, #tpu.memory_space<hbm>>
      tpu.wait_indirect_dma semaphore(%arg11 : memref<!tpu.dma_semaphore, #tpu.memory_space<semaphore_mem>>) src(%dma_wait3A_231 : memref<102400x16xf32, #tpu.memory_space<hbm>>) dst(%dma_wait3A_225 : memref<128x16xf32, #tpu.memory_space<vmem>>)
      %dma_wait3A_232 = arith.constant 6 : i32
      %dma_wait3A_233 = arith.constant 768 : i32
      %dma_wait3A_234 = arith.constant 0 : i32
      %dma_wait3A_235 = tpu.memref_slice %arg9[%dma_wait3A_233, %dma_wait3A_234] : memref<2048x16xf32, #tpu.memory_space<vmem>> -> memref<128x16xf32, #tpu.memory_space<vmem>>
      %dma_wait3A_236 = arith.constant 0 : i32
      %dma_wait3A_237 = tpu.memref_slice %arg6[%dma_wait3A_232, %dma_wait3A_236] : memref<16x128xi32, #tpu.memory_space<vmem>> -> memref<1x128xi32, #tpu.memory_space<vmem>>
      %dma_wait3A_238 = tpu.memref_squeeze %dma_wait3A_237 : memref<1x128xi32, #tpu.memory_space<vmem>> -> memref<128xi32, #tpu.memory_space<vmem>>
      %dma_wait3A_239 = arith.constant 0 : i32
      %dma_wait3A_240 = arith.constant 0 : i32
      %dma_wait3A_241 = tpu.memref_slice %arg2[%dma_wait3A_239, %dma_wait3A_240] : memref<102400x16xf32, #tpu.memory_space<hbm>> -> memref<102400x16xf32, #tpu.memory_space<hbm>>
      tpu.wait_indirect_dma semaphore(%arg11 : memref<!tpu.dma_semaphore, #tpu.memory_space<semaphore_mem>>) src(%dma_wait3A_241 : memref<102400x16xf32, #tpu.memory_space<hbm>>) dst(%dma_wait3A_235 : memref<128x16xf32, #tpu.memory_space<vmem>>)
      %dma_wait3A_242 = arith.constant 7 : i32
      %dma_wait3A_243 = arith.constant 896 : i32
      %dma_wait3A_244 = arith.constant 0 : i32
      %dma_wait3A_245 = tpu.memref_slice %arg9[%dma_wait3A_243, %dma_wait3A_244] : memref<2048x16xf32, #tpu.memory_space<vmem>> -> memref<128x16xf32, #tpu.memory_space<vmem>>
      %dma_wait3A_246 = arith.constant 0 : i32
      %dma_wait3A_247 = tpu.memref_slice %arg6[%dma_wait3A_242, %dma_wait3A_246] : memref<16x128xi32, #tpu.memory_space<vmem>> -> memref<1x128xi32, #tpu.memory_space<vmem>>
      %dma_wait3A_248 = tpu.memref_squeeze %dma_wait3A_247 : memref<1x128xi32, #tpu.memory_space<vmem>> -> memref<128xi32, #tpu.memory_space<vmem>>
      %dma_wait3A_249 = arith.constant 0 : i32
      %dma_wait3A_250 = arith.constant 0 : i32
      %dma_wait3A_251 = tpu.memref_slice %arg2[%dma_wait3A_249, %dma_wait3A_250] : memref<102400x16xf32, #tpu.memory_space<hbm>> -> memref<102400x16xf32, #tpu.memory_space<hbm>>
      tpu.wait_indirect_dma semaphore(%arg11 : memref<!tpu.dma_semaphore, #tpu.memory_space<semaphore_mem>>) src(%dma_wait3A_251 : memref<102400x16xf32, #tpu.memory_space<hbm>>) dst(%dma_wait3A_245 : memref<128x16xf32, #tpu.memory_space<vmem>>)
      %dma_wait3A_252 = arith.constant 8 : i32
      %dma_wait3A_253 = arith.constant 1024 : i32
      %dma_wait3A_254 = arith.constant 0 : i32
      %dma_wait3A_255 = tpu.memref_slice %arg9[%dma_wait3A_253, %dma_wait3A_254] : memref<2048x16xf32, #tpu.memory_space<vmem>> -> memref<128x16xf32, #tpu.memory_space<vmem>>
      %dma_wait3A_256 = arith.constant 0 : i32
      %dma_wait3A_257 = tpu.memref_slice %arg6[%dma_wait3A_252, %dma_wait3A_256] : memref<16x128xi32, #tpu.memory_space<vmem>> -> memref<1x128xi32, #tpu.memory_space<vmem>>
      %dma_wait3A_258 = tpu.memref_squeeze %dma_wait3A_257 : memref<1x128xi32, #tpu.memory_space<vmem>> -> memref<128xi32, #tpu.memory_space<vmem>>
      %dma_wait3A_259 = arith.constant 0 : i32
      %dma_wait3A_260 = arith.constant 0 : i32
      %dma_wait3A_261 = tpu.memref_slice %arg2[%dma_wait3A_259, %dma_wait3A_260] : memref<102400x16xf32, #tpu.memory_space<hbm>> -> memref<102400x16xf32, #tpu.memory_space<hbm>>
      tpu.wait_indirect_dma semaphore(%arg11 : memref<!tpu.dma_semaphore, #tpu.memory_space<semaphore_mem>>) src(%dma_wait3A_261 : memref<102400x16xf32, #tpu.memory_space<hbm>>) dst(%dma_wait3A_255 : memref<128x16xf32, #tpu.memory_space<vmem>>)
      %dma_wait3A_262 = arith.constant 9 : i32
      %dma_wait3A_263 = arith.constant 1152 : i32
      %dma_wait3A_264 = arith.constant 0 : i32
      %dma_wait3A_265 = tpu.memref_slice %arg9[%dma_wait3A_263, %dma_wait3A_264] : memref<2048x16xf32, #tpu.memory_space<vmem>> -> memref<128x16xf32, #tpu.memory_space<vmem>>
      %dma_wait3A_266 = arith.constant 0 : i32
      %dma_wait3A_267 = tpu.memref_slice %arg6[%dma_wait3A_262, %dma_wait3A_266] : memref<16x128xi32, #tpu.memory_space<vmem>> -> memref<1x128xi32, #tpu.memory_space<vmem>>
      %dma_wait3A_268 = tpu.memref_squeeze %dma_wait3A_267 : memref<1x128xi32, #tpu.memory_space<vmem>> -> memref<128xi32, #tpu.memory_space<vmem>>
      %dma_wait3A_269 = arith.constant 0 : i32
      %dma_wait3A_270 = arith.constant 0 : i32
      %dma_wait3A_271 = tpu.memref_slice %arg2[%dma_wait3A_269, %dma_wait3A_270] : memref<102400x16xf32, #tpu.memory_space<hbm>> -> memref<102400x16xf32, #tpu.memory_space<hbm>>
      tpu.wait_indirect_dma semaphore(%arg11 : memref<!tpu.dma_semaphore, #tpu.memory_space<semaphore_mem>>) src(%dma_wait3A_271 : memref<102400x16xf32, #tpu.memory_space<hbm>>) dst(%dma_wait3A_265 : memref<128x16xf32, #tpu.memory_space<vmem>>)
      %dma_wait3A_272 = arith.constant 10 : i32
      %dma_wait3A_273 = arith.constant 1280 : i32
      %dma_wait3A_274 = arith.constant 0 : i32
      %dma_wait3A_275 = tpu.memref_slice %arg9[%dma_wait3A_273, %dma_wait3A_274] : memref<2048x16xf32, #tpu.memory_space<vmem>> -> memref<128x16xf32, #tpu.memory_space<vmem>>
      %dma_wait3A_276 = arith.constant 0 : i32
      %dma_wait3A_277 = tpu.memref_slice %arg6[%dma_wait3A_272, %dma_wait3A_276] : memref<16x128xi32, #tpu.memory_space<vmem>> -> memref<1x128xi32, #tpu.memory_space<vmem>>
      %dma_wait3A_278 = tpu.memref_squeeze %dma_wait3A_277 : memref<1x128xi32, #tpu.memory_space<vmem>> -> memref<128xi32, #tpu.memory_space<vmem>>
      %dma_wait3A_279 = arith.constant 0 : i32
      %dma_wait3A_280 = arith.constant 0 : i32
      %dma_wait3A_281 = tpu.memref_slice %arg2[%dma_wait3A_279, %dma_wait3A_280] : memref<102400x16xf32, #tpu.memory_space<hbm>> -> memref<102400x16xf32, #tpu.memory_space<hbm>>
      tpu.wait_indirect_dma semaphore(%arg11 : memref<!tpu.dma_semaphore, #tpu.memory_space<semaphore_mem>>) src(%dma_wait3A_281 : memref<102400x16xf32, #tpu.memory_space<hbm>>) dst(%dma_wait3A_275 : memref<128x16xf32, #tpu.memory_space<vmem>>)
      %dma_wait3A_282 = arith.constant 11 : i32
      %dma_wait3A_283 = arith.constant 1408 : i32
      %dma_wait3A_284 = arith.constant 0 : i32
      %dma_wait3A_285 = tpu.memref_slice %arg9[%dma_wait3A_283, %dma_wait3A_284] : memref<2048x16xf32, #tpu.memory_space<vmem>> -> memref<128x16xf32, #tpu.memory_space<vmem>>
      %dma_wait3A_286 = arith.constant 0 : i32
      %dma_wait3A_287 = tpu.memref_slice %arg6[%dma_wait3A_282, %dma_wait3A_286] : memref<16x128xi32, #tpu.memory_space<vmem>> -> memref<1x128xi32, #tpu.memory_space<vmem>>
      %dma_wait3A_288 = tpu.memref_squeeze %dma_wait3A_287 : memref<1x128xi32, #tpu.memory_space<vmem>> -> memref<128xi32, #tpu.memory_space<vmem>>
      %dma_wait3A_289 = arith.constant 0 : i32
      %dma_wait3A_290 = arith.constant 0 : i32
      %dma_wait3A_291 = tpu.memref_slice %arg2[%dma_wait3A_289, %dma_wait3A_290] : memref<102400x16xf32, #tpu.memory_space<hbm>> -> memref<102400x16xf32, #tpu.memory_space<hbm>>
      tpu.wait_indirect_dma semaphore(%arg11 : memref<!tpu.dma_semaphore, #tpu.memory_space<semaphore_mem>>) src(%dma_wait3A_291 : memref<102400x16xf32, #tpu.memory_space<hbm>>) dst(%dma_wait3A_285 : memref<128x16xf32, #tpu.memory_space<vmem>>)
      %dma_wait3A_292 = arith.constant 12 : i32
      %dma_wait3A_293 = arith.constant 1536 : i32
      %dma_wait3A_294 = arith.constant 0 : i32
      %dma_wait3A_295 = tpu.memref_slice %arg9[%dma_wait3A_293, %dma_wait3A_294] : memref<2048x16xf32, #tpu.memory_space<vmem>> -> memref<128x16xf32, #tpu.memory_space<vmem>>
      %dma_wait3A_296 = arith.constant 0 : i32
      %dma_wait3A_297 = tpu.memref_slice %arg6[%dma_wait3A_292, %dma_wait3A_296] : memref<16x128xi32, #tpu.memory_space<vmem>> -> memref<1x128xi32, #tpu.memory_space<vmem>>
      %dma_wait3A_298 = tpu.memref_squeeze %dma_wait3A_297 : memref<1x128xi32, #tpu.memory_space<vmem>> -> memref<128xi32, #tpu.memory_space<vmem>>
      %dma_wait3A_299 = arith.constant 0 : i32
      %dma_wait3A_300 = arith.constant 0 : i32
      %dma_wait3A_301 = tpu.memref_slice %arg2[%dma_wait3A_299, %dma_wait3A_300] : memref<102400x16xf32, #tpu.memory_space<hbm>> -> memref<102400x16xf32, #tpu.memory_space<hbm>>
      tpu.wait_indirect_dma semaphore(%arg11 : memref<!tpu.dma_semaphore, #tpu.memory_space<semaphore_mem>>) src(%dma_wait3A_301 : memref<102400x16xf32, #tpu.memory_space<hbm>>) dst(%dma_wait3A_295 : memref<128x16xf32, #tpu.memory_space<vmem>>)
      %dma_wait3A_302 = arith.constant 13 : i32
      %dma_wait3A_303 = arith.constant 1664 : i32
      %dma_wait3A_304 = arith.constant 0 : i32
      %dma_wait3A_305 = tpu.memref_slice %arg9[%dma_wait3A_303, %dma_wait3A_304] : memref<2048x16xf32, #tpu.memory_space<vmem>> -> memref<128x16xf32, #tpu.memory_space<vmem>>
      %dma_wait3A_306 = arith.constant 0 : i32
      %dma_wait3A_307 = tpu.memref_slice %arg6[%dma_wait3A_302, %dma_wait3A_306] : memref<16x128xi32, #tpu.memory_space<vmem>> -> memref<1x128xi32, #tpu.memory_space<vmem>>
      %dma_wait3A_308 = tpu.memref_squeeze %dma_wait3A_307 : memref<1x128xi32, #tpu.memory_space<vmem>> -> memref<128xi32, #tpu.memory_space<vmem>>
      %dma_wait3A_309 = arith.constant 0 : i32
      %dma_wait3A_310 = arith.constant 0 : i32
      %dma_wait3A_311 = tpu.memref_slice %arg2[%dma_wait3A_309, %dma_wait3A_310] : memref<102400x16xf32, #tpu.memory_space<hbm>> -> memref<102400x16xf32, #tpu.memory_space<hbm>>
      tpu.wait_indirect_dma semaphore(%arg11 : memref<!tpu.dma_semaphore, #tpu.memory_space<semaphore_mem>>) src(%dma_wait3A_311 : memref<102400x16xf32, #tpu.memory_space<hbm>>) dst(%dma_wait3A_305 : memref<128x16xf32, #tpu.memory_space<vmem>>)
      %dma_wait3A_312 = arith.constant 14 : i32
      %dma_wait3A_313 = arith.constant 1792 : i32
      %dma_wait3A_314 = arith.constant 0 : i32
      %dma_wait3A_315 = tpu.memref_slice %arg9[%dma_wait3A_313, %dma_wait3A_314] : memref<2048x16xf32, #tpu.memory_space<vmem>> -> memref<128x16xf32, #tpu.memory_space<vmem>>
      %dma_wait3A_316 = arith.constant 0 : i32
      %dma_wait3A_317 = tpu.memref_slice %arg6[%dma_wait3A_312, %dma_wait3A_316] : memref<16x128xi32, #tpu.memory_space<vmem>> -> memref<1x128xi32, #tpu.memory_space<vmem>>
      %dma_wait3A_318 = tpu.memref_squeeze %dma_wait3A_317 : memref<1x128xi32, #tpu.memory_space<vmem>> -> memref<128xi32, #tpu.memory_space<vmem>>
      %dma_wait3A_319 = arith.constant 0 : i32
      %dma_wait3A_320 = arith.constant 0 : i32
      %dma_wait3A_321 = tpu.memref_slice %arg2[%dma_wait3A_319, %dma_wait3A_320] : memref<102400x16xf32, #tpu.memory_space<hbm>> -> memref<102400x16xf32, #tpu.memory_space<hbm>>
      tpu.wait_indirect_dma semaphore(%arg11 : memref<!tpu.dma_semaphore, #tpu.memory_space<semaphore_mem>>) src(%dma_wait3A_321 : memref<102400x16xf32, #tpu.memory_space<hbm>>) dst(%dma_wait3A_315 : memref<128x16xf32, #tpu.memory_space<vmem>>)
      %dma_wait3A_322 = arith.constant 15 : i32
      %dma_wait3A_323 = arith.constant 1920 : i32
      %dma_wait3A_324 = arith.constant 0 : i32
      %dma_wait3A_325 = tpu.memref_slice %arg9[%dma_wait3A_323, %dma_wait3A_324] : memref<2048x16xf32, #tpu.memory_space<vmem>> -> memref<128x16xf32, #tpu.memory_space<vmem>>
      %dma_wait3A_326 = arith.constant 0 : i32
      %dma_wait3A_327 = tpu.memref_slice %arg6[%dma_wait3A_322, %dma_wait3A_326] : memref<16x128xi32, #tpu.memory_space<vmem>> -> memref<1x128xi32, #tpu.memory_space<vmem>>
      %dma_wait3A_328 = tpu.memref_squeeze %dma_wait3A_327 : memref<1x128xi32, #tpu.memory_space<vmem>> -> memref<128xi32, #tpu.memory_space<vmem>>
      %dma_wait3A_329 = arith.constant 0 : i32
      %dma_wait3A_330 = arith.constant 0 : i32
      %dma_wait3A_331 = tpu.memref_slice %arg2[%dma_wait3A_329, %dma_wait3A_330] : memref<102400x16xf32, #tpu.memory_space<hbm>> -> memref<102400x16xf32, #tpu.memory_space<hbm>>
      tpu.wait_indirect_dma semaphore(%arg11 : memref<!tpu.dma_semaphore, #tpu.memory_space<semaphore_mem>>) src(%dma_wait3A_331 : memref<102400x16xf32, #tpu.memory_space<hbm>>) dst(%dma_wait3A_325 : memref<128x16xf32, #tpu.memory_space<vmem>>)
      %scan3A_332 = arith.constant 0 : i32
      %scan3A_333 = arith.constant 0 : i32
      %scan3A_334 = arith.constant 128 : i32
      %scan3A_335 = arith.addi %scan3A_333, %scan3A_334 : i32
      %scan3A_336 = arith.constant 1 : i32
      scf.for %scan3A_338 = %scan3A_333 to %scan3A_335 step %scan3A_336  : i32 {
        %get3A = arith.index_cast %scan3A_338 : i32 to index
        %get3A_339 = arith.constant 0 : index
        %get3A_340 = tpu.vector_load %arg7[%get3A, %get3A_339] {strides = array<i32>} : memref<128x16xf32, #tpu.memory_space<vmem>>, vector<1x16xf32>,
        %get3A_341 = vector.shape_cast %get3A_340 : vector<1x16xf32> to vector<16xf32>
        %get3A_342 = arith.index_cast %scan3A_338 : i32 to index
        %get3A_343 = arith.constant 0 : index
        %get3A_344 = tpu.vector_load %arg8[%get3A_342, %get3A_343] {strides = array<i32>} : memref<128x16xf32, #tpu.memory_space<vmem>>, vector<1x16xf32>,
        %get3A_345 = vector.shape_cast %get3A_344 : vector<1x16xf32> to vector<16xf32>
        %slice3A = vector.extract_strided_slice %get3A_341 {offsets = [0], sizes = [1], strides = [1]} : vector<16xf32> to vector<1xf32>
        %squeeze3A = vector.extract %slice3A[0] : f32 from vector<1xf32>
        %mul3A_346 = arith.constant 16 : i32
        %mul3A_347 = arith.muli %scan3A_338, %mul3A_346 : i32
        %add3A_348 = arith.constant 0 : i32
        %add3A_349 = arith.addi %mul3A_347, %add3A_348 : i32
        %get3A_350 = arith.index_cast %add3A_349 : i32 to index
        %get3A_351 = arith.constant 0 : index
        %get3A_352 = tpu.vector_load %arg9[%get3A_350, %get3A_351] {strides = array<i32>} : memref<2048x16xf32, #tpu.memory_space<vmem>>, vector<1x16xf32>,
        %get3A_353 = vector.shape_cast %get3A_352 : vector<1x16xf32> to vector<16xf32>
        %mul3A_354 = vector.broadcast %squeeze3A : f32 to vector<16xf32>
        %mul3A_355 = arith.mulf %mul3A_354, %get3A_353 : vector<16xf32>
        %add3A_356 = arith.addf %get3A_345, %mul3A_355 : vector<16xf32>
        %slice3A_357 = vector.extract_strided_slice %get3A_341 {offsets = [1], sizes = [1], strides = [1]} : vector<16xf32> to vector<1xf32>
        %squeeze3A_358 = vector.extract %slice3A_357[0] : f32 from vector<1xf32>
        %mul3A_359 = arith.constant 16 : i32
        %mul3A_360 = arith.muli %scan3A_338, %mul3A_359 : i32
        %add3A_361 = arith.constant 1 : i32
        %add3A_362 = arith.addi %mul3A_360, %add3A_361 : i32
        %get3A_363 = arith.index_cast %add3A_362 : i32 to index
        %get3A_364 = arith.constant 0 : index
        %get3A_365 = tpu.vector_load %arg9[%get3A_363, %get3A_364] {strides = array<i32>} : memref<2048x16xf32, #tpu.memory_space<vmem>>, vector<1x16xf32>,
        %get3A_366 = vector.shape_cast %get3A_365 : vector<1x16xf32> to vector<16xf32>
        %mul3A_367 = vector.broadcast %squeeze3A_358 : f32 to vector<16xf32>
        %mul3A_368 = arith.mulf %mul3A_367, %get3A_366 : vector<16xf32>
        %add3A_369 = arith.addf %add3A_356, %mul3A_368 : vector<16xf32>
        %slice3A_370 = vector.extract_strided_slice %get3A_341 {offsets = [2], sizes = [1], strides = [1]} : vector<16xf32> to vector<1xf32>
        %squeeze3A_371 = vector.extract %slice3A_370[0] : f32 from vector<1xf32>
        %mul3A_372 = arith.constant 16 : i32
        %mul3A_373 = arith.muli %scan3A_338, %mul3A_372 : i32
        %add3A_374 = arith.constant 2 : i32
        %add3A_375 = arith.addi %mul3A_373, %add3A_374 : i32
        %get3A_376 = arith.index_cast %add3A_375 : i32 to index
        %get3A_377 = arith.constant 0 : index
        %get3A_378 = tpu.vector_load %arg9[%get3A_376, %get3A_377] {strides = array<i32>} : memref<2048x16xf32, #tpu.memory_space<vmem>>, vector<1x16xf32>,
        %get3A_379 = vector.shape_cast %get3A_378 : vector<1x16xf32> to vector<16xf32>
        %mul3A_380 = vector.broadcast %squeeze3A_371 : f32 to vector<16xf32>
        %mul3A_381 = arith.mulf %mul3A_380, %get3A_379 : vector<16xf32>
        %add3A_382 = arith.addf %add3A_369, %mul3A_381 : vector<16xf32>
        %slice3A_383 = vector.extract_strided_slice %get3A_341 {offsets = [3], sizes = [1], strides = [1]} : vector<16xf32> to vector<1xf32>
        %squeeze3A_384 = vector.extract %slice3A_383[0] : f32 from vector<1xf32>
        %mul3A_385 = arith.constant 16 : i32
        %mul3A_386 = arith.muli %scan3A_338, %mul3A_385 : i32
        %add3A_387 = arith.constant 3 : i32
        %add3A_388 = arith.addi %mul3A_386, %add3A_387 : i32
        %get3A_389 = arith.index_cast %add3A_388 : i32 to index
        %get3A_390 = arith.constant 0 : index
        %get3A_391 = tpu.vector_load %arg9[%get3A_389, %get3A_390] {strides = array<i32>} : memref<2048x16xf32, #tpu.memory_space<vmem>>, vector<1x16xf32>,
        %get3A_392 = vector.shape_cast %get3A_391 : vector<1x16xf32> to vector<16xf32>
        %mul3A_393 = vector.broadcast %squeeze3A_384 : f32 to vector<16xf32>
        %mul3A_394 = arith.mulf %mul3A_393, %get3A_392 : vector<16xf32>
        %add3A_395 = arith.addf %add3A_382, %mul3A_394 : vector<16xf32>
        %slice3A_396 = vector.extract_strided_slice %get3A_341 {offsets = [4], sizes = [1], strides = [1]} : vector<16xf32> to vector<1xf32>
        %squeeze3A_397 = vector.extract %slice3A_396[0] : f32 from vector<1xf32>
        %mul3A_398 = arith.constant 16 : i32
        %mul3A_399 = arith.muli %scan3A_338, %mul3A_398 : i32
        %add3A_400 = arith.constant 4 : i32
        %add3A_401 = arith.addi %mul3A_399, %add3A_400 : i32
        %get3A_402 = arith.index_cast %add3A_401 : i32 to index
        %get3A_403 = arith.constant 0 : index
        %get3A_404 = tpu.vector_load %arg9[%get3A_402, %get3A_403] {strides = array<i32>} : memref<2048x16xf32, #tpu.memory_space<vmem>>, vector<1x16xf32>,
        %get3A_405 = vector.shape_cast %get3A_404 : vector<1x16xf32> to vector<16xf32>
        %mul3A_406 = vector.broadcast %squeeze3A_397 : f32 to vector<16xf32>
        %mul3A_407 = arith.mulf %mul3A_406, %get3A_405 : vector<16xf32>
        %add3A_408 = arith.addf %add3A_395, %mul3A_407 : vector<16xf32>
        %slice3A_409 = vector.extract_strided_slice %get3A_341 {offsets = [5], sizes = [1], strides = [1]} : vector<16xf32> to vector<1xf32>
        %squeeze3A_410 = vector.extract %slice3A_409[0] : f32 from vector<1xf32>
        %mul3A_411 = arith.constant 16 : i32
        %mul3A_412 = arith.muli %scan3A_338, %mul3A_411 : i32
        %add3A_413 = arith.constant 5 : i32
        %add3A_414 = arith.addi %mul3A_412, %add3A_413 : i32
        %get3A_415 = arith.index_cast %add3A_414 : i32 to index
        %get3A_416 = arith.constant 0 : index
        %get3A_417 = tpu.vector_load %arg9[%get3A_415, %get3A_416] {strides = array<i32>} : memref<2048x16xf32, #tpu.memory_space<vmem>>, vector<1x16xf32>,
        %get3A_418 = vector.shape_cast %get3A_417 : vector<1x16xf32> to vector<16xf32>
        %mul3A_419 = vector.broadcast %squeeze3A_410 : f32 to vector<16xf32>
        %mul3A_420 = arith.mulf %mul3A_419, %get3A_418 : vector<16xf32>
        %add3A_421 = arith.addf %add3A_408, %mul3A_420 : vector<16xf32>
        %slice3A_422 = vector.extract_strided_slice %get3A_341 {offsets = [6], sizes = [1], strides = [1]} : vector<16xf32> to vector<1xf32>
        %squeeze3A_423 = vector.extract %slice3A_422[0] : f32 from vector<1xf32>
        %mul3A_424 = arith.constant 16 : i32
        %mul3A_425 = arith.muli %scan3A_338, %mul3A_424 : i32
        %add3A_426 = arith.constant 6 : i32
        %add3A_427 = arith.addi %mul3A_425, %add3A_426 : i32
        %get3A_428 = arith.index_cast %add3A_427 : i32 to index
        %get3A_429 = arith.constant 0 : index
        %get3A_430 = tpu.vector_load %arg9[%get3A_428, %get3A_429] {strides = array<i32>} : memref<2048x16xf32, #tpu.memory_space<vmem>>, vector<1x16xf32>,
        %get3A_431 = vector.shape_cast %get3A_430 : vector<1x16xf32> to vector<16xf32>
        %mul3A_432 = vector.broadcast %squeeze3A_423 : f32 to vector<16xf32>
        %mul3A_433 = arith.mulf %mul3A_432, %get3A_431 : vector<16xf32>
        %add3A_434 = arith.addf %add3A_421, %mul3A_433 : vector<16xf32>
        %slice3A_435 = vector.extract_strided_slice %get3A_341 {offsets = [7], sizes = [1], strides = [1]} : vector<16xf32> to vector<1xf32>
        %squeeze3A_436 = vector.extract %slice3A_435[0] : f32 from vector<1xf32>
        %mul3A_437 = arith.constant 16 : i32
        %mul3A_438 = arith.muli %scan3A_338, %mul3A_437 : i32
        %add3A_439 = arith.constant 7 : i32
        %add3A_440 = arith.addi %mul3A_438, %add3A_439 : i32
        %get3A_441 = arith.index_cast %add3A_440 : i32 to index
        %get3A_442 = arith.constant 0 : index
        %get3A_443 = tpu.vector_load %arg9[%get3A_441, %get3A_442] {strides = array<i32>} : memref<2048x16xf32, #tpu.memory_space<vmem>>, vector<1x16xf32>,
        %get3A_444 = vector.shape_cast %get3A_443 : vector<1x16xf32> to vector<16xf32>
        %mul3A_445 = vector.broadcast %squeeze3A_436 : f32 to vector<16xf32>
        %mul3A_446 = arith.mulf %mul3A_445, %get3A_444 : vector<16xf32>
        %add3A_447 = arith.addf %add3A_434, %mul3A_446 : vector<16xf32>
        %slice3A_448 = vector.extract_strided_slice %get3A_341 {offsets = [8], sizes = [1], strides = [1]} : vector<16xf32> to vector<1xf32>
        %squeeze3A_449 = vector.extract %slice3A_448[0] : f32 from vector<1xf32>
        %mul3A_450 = arith.constant 16 : i32
        %mul3A_451 = arith.muli %scan3A_338, %mul3A_450 : i32
        %add3A_452 = arith.constant 8 : i32
        %add3A_453 = arith.addi %mul3A_451, %add3A_452 : i32
        %get3A_454 = arith.index_cast %add3A_453 : i32 to index
        %get3A_455 = arith.constant 0 : index
        %get3A_456 = tpu.vector_load %arg9[%get3A_454, %get3A_455] {strides = array<i32>} : memref<2048x16xf32, #tpu.memory_space<vmem>>, vector<1x16xf32>,
        %get3A_457 = vector.shape_cast %get3A_456 : vector<1x16xf32> to vector<16xf32>
        %mul3A_458 = vector.broadcast %squeeze3A_449 : f32 to vector<16xf32>
        %mul3A_459 = arith.mulf %mul3A_458, %get3A_457 : vector<16xf32>
        %add3A_460 = arith.addf %add3A_447, %mul3A_459 : vector<16xf32>
        %slice3A_461 = vector.extract_strided_slice %get3A_341 {offsets = [9], sizes = [1], strides = [1]} : vector<16xf32> to vector<1xf32>
        %squeeze3A_462 = vector.extract %slice3A_461[0] : f32 from vector<1xf32>
        %mul3A_463 = arith.constant 16 : i32
        %mul3A_464 = arith.muli %scan3A_338, %mul3A_463 : i32
        %add3A_465 = arith.constant 9 : i32
        %add3A_466 = arith.addi %mul3A_464, %add3A_465 : i32
        %get3A_467 = arith.index_cast %add3A_466 : i32 to index
        %get3A_468 = arith.constant 0 : index
        %get3A_469 = tpu.vector_load %arg9[%get3A_467, %get3A_468] {strides = array<i32>} : memref<2048x16xf32, #tpu.memory_space<vmem>>, vector<1x16xf32>,
        %get3A_470 = vector.shape_cast %get3A_469 : vector<1x16xf32> to vector<16xf32>
        %mul3A_471 = vector.broadcast %squeeze3A_462 : f32 to vector<16xf32>
        %mul3A_472 = arith.mulf %mul3A_471, %get3A_470 : vector<16xf32>
        %add3A_473 = arith.addf %add3A_460, %mul3A_472 : vector<16xf32>
        %slice3A_474 = vector.extract_strided_slice %get3A_341 {offsets = [10], sizes = [1], strides = [1]} : vector<16xf32> to vector<1xf32>
        %squeeze3A_475 = vector.extract %slice3A_474[0] : f32 from vector<1xf32>
        %mul3A_476 = arith.constant 16 : i32
        %mul3A_477 = arith.muli %scan3A_338, %mul3A_476 : i32
        %add3A_478 = arith.constant 10 : i32
        %add3A_479 = arith.addi %mul3A_477, %add3A_478 : i32
        %get3A_480 = arith.index_cast %add3A_479 : i32 to index
        %get3A_481 = arith.constant 0 : index
        %get3A_482 = tpu.vector_load %arg9[%get3A_480, %get3A_481] {strides = array<i32>} : memref<2048x16xf32, #tpu.memory_space<vmem>>, vector<1x16xf32>,
        %get3A_483 = vector.shape_cast %get3A_482 : vector<1x16xf32> to vector<16xf32>
        %mul3A_484 = vector.broadcast %squeeze3A_475 : f32 to vector<16xf32>
        %mul3A_485 = arith.mulf %mul3A_484, %get3A_483 : vector<16xf32>
        %add3A_486 = arith.addf %add3A_473, %mul3A_485 : vector<16xf32>
        %slice3A_487 = vector.extract_strided_slice %get3A_341 {offsets = [11], sizes = [1], strides = [1]} : vector<16xf32> to vector<1xf32>
        %squeeze3A_488 = vector.extract %slice3A_487[0] : f32 from vector<1xf32>
        %mul3A_489 = arith.constant 16 : i32
        %mul3A_490 = arith.muli %scan3A_338, %mul3A_489 : i32
        %add3A_491 = arith.constant 11 : i32
        %add3A_492 = arith.addi %mul3A_490, %add3A_491 : i32
        %get3A_493 = arith.index_cast %add3A_492 : i32 to index
        %get3A_494 = arith.constant 0 : index
        %get3A_495 = tpu.vector_load %arg9[%get3A_493, %get3A_494] {strides = array<i32>} : memref<2048x16xf32, #tpu.memory_space<vmem>>, vector<1x16xf32>,
        %get3A_496 = vector.shape_cast %get3A_495 : vector<1x16xf32> to vector<16xf32>
        %mul3A_497 = vector.broadcast %squeeze3A_488 : f32 to vector<16xf32>
        %mul3A_498 = arith.mulf %mul3A_497, %get3A_496 : vector<16xf32>
        %add3A_499 = arith.addf %add3A_486, %mul3A_498 : vector<16xf32>
        %slice3A_500 = vector.extract_strided_slice %get3A_341 {offsets = [12], sizes = [1], strides = [1]} : vector<16xf32> to vector<1xf32>
        %squeeze3A_501 = vector.extract %slice3A_500[0] : f32 from vector<1xf32>
        %mul3A_502 = arith.constant 16 : i32
        %mul3A_503 = arith.muli %scan3A_338, %mul3A_502 : i32
        %add3A_504 = arith.constant 12 : i32
        %add3A_505 = arith.addi %mul3A_503, %add3A_504 : i32
        %get3A_506 = arith.index_cast %add3A_505 : i32 to index
        %get3A_507 = arith.constant 0 : index
        %get3A_508 = tpu.vector_load %arg9[%get3A_506, %get3A_507] {strides = array<i32>} : memref<2048x16xf32, #tpu.memory_space<vmem>>, vector<1x16xf32>,
        %get3A_509 = vector.shape_cast %get3A_508 : vector<1x16xf32> to vector<16xf32>
        %mul3A_510 = vector.broadcast %squeeze3A_501 : f32 to vector<16xf32>
        %mul3A_511 = arith.mulf %mul3A_510, %get3A_509 : vector<16xf32>
        %add3A_512 = arith.addf %add3A_499, %mul3A_511 : vector<16xf32>
        %slice3A_513 = vector.extract_strided_slice %get3A_341 {offsets = [13], sizes = [1], strides = [1]} : vector<16xf32> to vector<1xf32>
        %squeeze3A_514 = vector.extract %slice3A_513[0] : f32 from vector<1xf32>
        %mul3A_515 = arith.constant 16 : i32
        %mul3A_516 = arith.muli %scan3A_338, %mul3A_515 : i32
        %add3A_517 = arith.constant 13 : i32
        %add3A_518 = arith.addi %mul3A_516, %add3A_517 : i32
        %get3A_519 = arith.index_cast %add3A_518 : i32 to index
        %get3A_520 = arith.constant 0 : index
        %get3A_521 = tpu.vector_load %arg9[%get3A_519, %get3A_520] {strides = array<i32>} : memref<2048x16xf32, #tpu.memory_space<vmem>>, vector<1x16xf32>,
        %get3A_522 = vector.shape_cast %get3A_521 : vector<1x16xf32> to vector<16xf32>
        %mul3A_523 = vector.broadcast %squeeze3A_514 : f32 to vector<16xf32>
        %mul3A_524 = arith.mulf %mul3A_523, %get3A_522 : vector<16xf32>
        %add3A_525 = arith.addf %add3A_512, %mul3A_524 : vector<16xf32>
        %slice3A_526 = vector.extract_strided_slice %get3A_341 {offsets = [14], sizes = [1], strides = [1]} : vector<16xf32> to vector<1xf32>
        %squeeze3A_527 = vector.extract %slice3A_526[0] : f32 from vector<1xf32>
        %mul3A_528 = arith.constant 16 : i32
        %mul3A_529 = arith.muli %scan3A_338, %mul3A_528 : i32
        %add3A_530 = arith.constant 14 : i32
        %add3A_531 = arith.addi %mul3A_529, %add3A_530 : i32
        %get3A_532 = arith.index_cast %add3A_531 : i32 to index
        %get3A_533 = arith.constant 0 : index
        %get3A_534 = tpu.vector_load %arg9[%get3A_532, %get3A_533] {strides = array<i32>} : memref<2048x16xf32, #tpu.memory_space<vmem>>, vector<1x16xf32>,
        %get3A_535 = vector.shape_cast %get3A_534 : vector<1x16xf32> to vector<16xf32>
        %mul3A_536 = vector.broadcast %squeeze3A_527 : f32 to vector<16xf32>
        %mul3A_537 = arith.mulf %mul3A_536, %get3A_535 : vector<16xf32>
        %add3A_538 = arith.addf %add3A_525, %mul3A_537 : vector<16xf32>
        %slice3A_539 = vector.extract_strided_slice %get3A_341 {offsets = [15], sizes = [1], strides = [1]} : vector<16xf32> to vector<1xf32>
        %squeeze3A_540 = vector.extract %slice3A_539[0] : f32 from vector<1xf32>
        %mul3A_541 = arith.constant 16 : i32
        %mul3A_542 = arith.muli %scan3A_338, %mul3A_541 : i32
        %add3A_543 = arith.constant 15 : i32
        %add3A_544 = arith.addi %mul3A_542, %add3A_543 : i32
        %get3A_545 = arith.index_cast %add3A_544 : i32 to index
        %get3A_546 = arith.constant 0 : index
        %get3A_547 = tpu.vector_load %arg9[%get3A_545, %get3A_546] {strides = array<i32>} : memref<2048x16xf32, #tpu.memory_space<vmem>>, vector<1x16xf32>,
        %get3A_548 = vector.shape_cast %get3A_547 : vector<1x16xf32> to vector<16xf32>
        %mul3A_549 = vector.broadcast %squeeze3A_540 : f32 to vector<16xf32>
        %mul3A_550 = arith.mulf %mul3A_549, %get3A_548 : vector<16xf32>
        %add3A_551 = arith.addf %add3A_538, %mul3A_550 : vector<16xf32>
        %mul3A_552 = arith.mulf %add3A_551, %add3A_551 : vector<16xf32>
        %swap3A = arith.index_cast %scan3A_338 : i32 to index
        %swap3A_553 = arith.constant 0 : index
        %swap3A_554 = tpu.vector_load %arg10[%swap3A, %swap3A_553] {strides = array<i32>} : memref<128x16xf32, #tpu.memory_space<vmem>>, vector<1x16xf32>,
        %swap3A_555 = vector.shape_cast %swap3A_554 : vector<1x16xf32> to vector<16xf32>
        %swap3A_556 = vector.shape_cast %mul3A_552 : vector<16xf32> to vector<1x16xf32>
        tpu.vector_store %arg10[%swap3A, %swap3A_553], %swap3A_556 {strides = array<i32>} : memref<128x16xf32, #tpu.memory_space<vmem>>, vector<1x16xf32>,
      }
      %scan3A_337 = arith.constant 128 : i32
      "tpu.region"() ({
        %run_scoped3A = tpu.sem_alloc : memref<!tpu.dma_semaphore, #tpu.memory_space<semaphore_mem>>
        %dma_start3A_338 = arith.constant 0 : i32
        %dma_start3A_339 = tpu.memref_slice %arg5[%mul3A_11, %dma_start3A_338] : memref<102400x16xf32, #tpu.memory_space<hbm>> -> memref<128x16xf32, #tpu.memory_space<hbm>>
        %dma_start3A_340 = arith.constant 0 : i32
        %dma_start3A_341 = tpu.memref_slice %arg5[%mul3A_11, %dma_start3A_340] : memref<102400x16xf32, #tpu.memory_space<hbm>> -> memref<128x16xf32, #tpu.memory_space<hbm>>
        tpu.enqueue_dma source(%arg10 : memref<128x16xf32, #tpu.memory_space<vmem>>) target(%dma_start3A_341 : memref<128x16xf32, #tpu.memory_space<hbm>>) target_semaphore(%run_scoped3A : memref<!tpu.dma_semaphore, #tpu.memory_space<semaphore_mem>>)
        %dma_wait3A_342 = arith.constant 0 : i32
        %dma_wait3A_343 = tpu.memref_slice %arg5[%mul3A_11, %dma_wait3A_342] : memref<102400x16xf32, #tpu.memory_space<hbm>> -> memref<128x16xf32, #tpu.memory_space<hbm>>
        %dma_wait3A_344 = arith.constant 0 : i32
        %dma_wait3A_345 = tpu.memref_slice %arg5[%mul3A_11, %dma_wait3A_344] : memref<102400x16xf32, #tpu.memory_space<hbm>> -> memref<128x16xf32, #tpu.memory_space<hbm>>
        tpu.wait_dma2 semaphore(%run_scoped3A : memref<!tpu.dma_semaphore, #tpu.memory_space<semaphore_mem>>) src(%arg10 : memref<128x16xf32, #tpu.memory_space<vmem>>) dst(%dma_wait3A_345 : memref<128x16xf32, #tpu.memory_space<hbm>>)
        tpu.yield
      }) : () -> ()
    }
    %scan3A_5 = arith.constant 25 : i32
    return
  }
}

</mosaic_0001>

<sc_bundles>
// kernel: kernel.3.cloned.1.call-start
scs
__scs_entry_jumppad:
0x0: {  	(pc) =	sbr.rel $0x88, $3  }
0x1: {  	(tag) =	ssettag $0x0;
	lr =	simm.s32 $0x1  }
0x2: {  	[smem:$0x3F9D] =	sst lr;
	_ =	strace $0xD0000000  }
0x3: {  	_ = 	snop  }
0x4: {  	_ = 	snop  }
0x5: {  	_ = 	snop  }
0x6: {  	_ = 	snop  }
0x7: {  	_ = 	snop  }
__scs_overlays_trampoline_lowered:
0x8: {  	[smem:$0x3FAC] =	sst s0  }
0x9: {  	[smem:$0x3FAD] =	sst s1  }
0xa: {  	[smem:$0x3FAE] =	sst s2  }
0xb: {  	[smem:$0x3FAF] =	sst s3  }
0xc: {  	[smem:$0x3FB0] =	sst s4  }
0xd: {  	[smem:$0x3FB1] =	sst s5  }
0xe: {  	[smem:$0x3FB2] =	sst s6  }
0xf: {  	[smem:$0x3FB3] =	sst s7  }
0x10: {  	[smem:$0x3FB4] =	sst s8  }
0x11: {  	[smem:$0x3FB5] =	sst s9;
	s0 =	simm.s32 @!p0 $0x0  }
0x12: {  	s1 =	sld [smem:$0x3F9B];
	s0 =	simm.s32 @p0 $0x1  }
0x13: {  	[smem:$0x3FB6] =	sst s0;
	s0 =	simm.s32 @!p1 $0x0  }
0x14: {  	s2 =	sld [smem:$0x3F9A];
	s0 =	simm.s32 @p1 $0x1  }
0x15: {  	[smem:$0x3FB7] =	sst s0;
	s0 =	simm.s32 @!p2 $0x0  }
0x16: {  	s3 =	sld [smem:$0x3FDB];
	s0 =	simm.s32 @p2 $0x1  }
0x17: {  	s4 =	simm.s32 $0x1BF5;
	[smem:$0x3FB9] =	sst s0  }
0x18: {  	s0 =	sld [smem:$0x3F9C];
	_ =	swait.ge [sflag:s4], $0x0  }
0x19: {  	s7 =	sld [smem:$0x3F9D]  }
0x1a: {  	s8 =	sadd.s32 $0xFFFFE003, lr  }
0x1b: {  	s9 =	sadd.s32 $0xFFFFFEF7, lr;
	s5 =	simm.s32 $0xFFFFFFFF;
	p2 =	slt.u32 s8, $0xFFFFF086  }
0x1c: {  	p1 =	slt.u32 s9, $0xF7A;
	s5 =	simm.s32 @!p2 $0x0  }
0x1d: {  	s5 =	simm.s32 @p1 $0x1;
	p0 =	seq.s32 s7, s2  }
0x1e: {  	s7 =	smul.u32 @!p0 $0xF7A, s2;
	p2 =	seq.s32 @!p0 s5, $0x0  }
0x1f: {  	s9 =	smul.u32 $0xF7A, s1;
	s8 =	simm.s32 @!p0 $0x1BF5;
	p2 =	por !p2, p0  }
0x20: {  	[sflag:s8] =	ssyncset.s32 @!p0 $0xFFFFF086;
	s6 =	sadd.s32 @!p0 s3, s7;
	s7 =	simm.s32 @!p0 $0x108  }
0x21: {  	s3 =	sadd.s32 s3, s9;
	s6 =	sadd.s32 @!p0 $0x88, s6;
	s7 =	simm.s32 @p2 $0x1082  }
0x22: {  	[simem:s7], [sflag:s8] =	dma.local @!p0 [hbm:s6], $0xF7A  }
0x23: {  	s9 =	sor.u32 $0xD0000000, s2;
	s6 =	simm.s32 $0x108;
	_ =	swait.ge @!p0 [sflag:s8], $0x0  }
0x24: {  	s3 =	sadd.s32 $0x88, s3;
	s6 =	simm.s32 @!p1 $0x1082;
	[sflag:s4] =	ssyncset.s32 $0xFFFFF086  }
0x25: {  	[simem:s6], [sflag:s4] =	dma.local [hbm:s3], $0xF7A  }
0x26: {  	[smem:$0x3F9D] =	sst s1;
	(tag) =	ssettag s2;
	_ =	strace s9  }
0x27: {  	s1 =	sld [smem:$0x3FAD]  }
0x28: {  	s2 =	sld [smem:$0x3FAE]  }
0x29: {  	s4 =	sld [smem:$0x3FB0]  }
0x2a: {  	p0 =	seq.s32 s5, $0x0;
	s5 =	sld [smem:$0x3FB1]  }
0x2b: {  	s6 =	sld [smem:$0x3FB2]  }
0x2c: {  	s7 =	sld [smem:$0x3FB3]  }
0x2d: {  	s3 =	simm.s32 $0x108;
	s8 =	sld [smem:$0x3FB4]  }
0x2e: {  	s3 =	simm.s32 @!p0 $0x1082;
	s9 =	sld [smem:$0x3FB5]  }
0x2f: {  	lr =	sadd.s32 s0, s3;
	s0 =	sld [smem:$0x3FAC]  }
0x30: {  	s3 =	sld [smem:$0x3FAF]  }
0x31: {  	[smem:$0x3FB8] =	sst s10  }
0x32: {  	s10 =	sld [smem:$0x3FB6];
	_ =	sdelay $0x3  }
0x33: {  	p0 =	seq.s32 s10, $0x1;
	s10 =	sld [smem:$0x3FB8];
	_ =	sdelay $0x3  }
0x34: {  	[smem:$0x3FB8] =	sst s10  }
0x35: {  	s10 =	sld [smem:$0x3FB7];
	_ =	sdelay $0x3  }
0x36: {  	p1 =	seq.s32 s10, $0x1;
	s10 =	sld [smem:$0x3FB8];
	_ =	sdelay $0x3  }
0x37: {  	[smem:$0x3FB8] =	sst s10  }
0x38: {  	s10 =	sld [smem:$0x3FB9]  }
0x39: {  	_ = 	snop;
	(pc) =	sbr.ind lr, $3  }
0x3a: {  	_ = 	snop  }
0x3b: {  	_ = 	snop  }
0x3c: {  	p2 =	seq.s32 s10, $0x1;
	s10 =	sld [smem:$0x3FB8]  }
0x3d: {  	_ =	shalt  }
0x3e: {  	_ =	shalt  }
0x3f: {  	_ =	shalt  }
0x40: {  	_ =	shalt  }
0x41: {  	_ =	shalt  }
0x42: {  	_ =	shalt  }
0x43: {  	_ =	shalt  }
0x44: {  	_ =	shalt  }
0x45: {  	_ =	shalt  }
0x46: {  	_ =	shalt  }
0x47: {  	_ =	shalt  }
0x48: {  	_ =	shalt  }
0x49: {  	_ =	shalt  }
0x4a: {  	_ =	shalt  }
0x4b: {  	_ =	shalt  }
0x4c: {  	_ =	shalt  }
0x4d: {  	_ =	shalt  }
0x4e: {  	_ =	shalt  }
0x4f: {  	_ =	shalt  }
0x50: {  	_ =	shalt  }
0x51: {  	_ =	shalt  }
0x52: {  	_ =	shalt  }
0x53: {  	_ =	shalt  }
0x54: {  	_ =	shalt  }
0x55: {  	_ =	shalt  }
0x56: {  	_ =	shalt  }
0x57: {  	_ =	shalt  }
0x58: {  	_ =	shalt  }
0x59: {  	_ =	shalt  }
0x5a: {  	_ =	shalt  }
0x5b: {  	_ =	shalt  }
0x5c: {  	_ =	shalt  }
0x5d: {  	_ =	shalt  }
0x5e: {  	_ =	shalt  }
0x5f: {  	_ =	shalt  }
0x60: {  	_ =	shalt  }
0x61: {  	_ =	shalt  }
0x62: {  	_ =	shalt  }
0x63: {  	_ =	shalt  }
0x64: {  	_ =	shalt  }
0x65: {  	_ =	shalt  }
0x66: {  	_ =	shalt  }
0x67: {  	_ =	shalt  }
0x68: {  	_ =	shalt  }
0x69: {  	_ =	shalt  }
0x6a: {  	_ =	shalt  }
0x6b: {  	_ =	shalt  }
0x6c: {  	_ =	shalt  }
0x6d: {  	_ =	shalt  }
0x6e: {  	_ =	shalt  }
0x6f: {  	_ =	shalt  }
0x70: {  	_ =	shalt  }
0x71: {  	_ =	shalt  }
0x72: {  	_ =	shalt  }
0x73: {  	_ =	shalt  }
0x74: {  	_ =	shalt  }
0x75: {  	_ =	shalt  }
0x76: {  	_ =	shalt  }
0x77: {  	_ =	shalt  }
0x78: {  	_ =	shalt  }
0x79: {  	_ =	shalt  }
0x7a: {  	_ =	shalt  }
0x7b: {  	_ =	shalt  }
0x7c: {  	_ =	shalt  }
0x7d: {  	_ =	shalt  }
0x7e: {  	_ =	shalt  }
0x7f: {  	_ =	shalt  }
0x80: {  	_ =	shalt  }
0x81: {  	_ =	shalt  }
0x82: {  	_ =	shalt  }
0x83: {  	_ =	shalt  }
0x84: {  	_ =	shalt  }
0x85: {  	_ =	shalt  }
0x86: {  	_ =	shalt  }
0x87: {  	_ =	shalt  }
.Lfunc_end0:
.L_simem_size_0:
called_computation_lowered:
.L_overlay_start_0:
0x88: {  	s2 =	sld [smem:$0x3FD9]  }
0x89: {  	s3 =	sld [smem:$0x3FFE];
	_ =	sdelay $0x1  }
0x8a: {  	s1 =	srdreg.scid  }
0x8b: {  	s0 =	sand.u32 $0x1, s1  }
0x8c: {  	s16 =	sshll.u32 s0, $0xA;
	s2 =	sadd.s32 s3, s2  }
0x8d: {  	s2 =	sadd.s32 s2, s16  }
0x8e: {  	[smem:$0x3FC4] =	sst s2  }
0x8f: {  	_ = 	snop  }
0x90: {  	(tm) =	ssettm $0x1  }
0x91: {  	s17 =	sld [smem:$0x3FFB];
	_ =	sdelay $0x3  }
0x92: {  	_ =	strace s17  }
0x93: {  	s2 =	sld [smem:$0x3FFC];
	_ =	sdelay $0x3  }
0x94: {  	_ =	strace s2  }
0x95: {  	s2 =	sld [smem:$0x3FFD];
	_ =	sdelay $0x3  }
0x96: {  	_ =	strace s2  }
0x97: {  	_ =	strace $0x8FFFFFFF  }
0x98: {  	s18 =	sld [smem:$0x3FDB];
	_ =	sdelay $0x1  }
0x99: {  	s19 =	simm.s32 $_scs_section_size  }
0x9a: {  	s4 =	simm.s32 $_size__tile_overlayer_lowered;
	s5 =	simm.s32 $_tile_overlayer_lowered  }
0x9b: {  	s22 =	simm.s32 $0x1BFF;
	s21 =	sshll.u32 s5, $0x1;
	s2 =	sadd.s32 s19, s18  }
0x9c: {  	s6 =	simm.s32 $0x0;
	s20 =	sshll.u32 s4, $0x1;
	s4 =	sadd.s32 s21, s2  }
0x9d: {  	[timem:s6], [sflag:s22] =	dma.local [hbm:s4], s20  }
0x9e: {  	_ =	swait.ge [sflag:s22], s20  }
0x9f: {  	s3 =	ssub.s32 $0x0, s20;
	[sflag:s22] =	ssyncset.done $0x0  }
0xa0: {  	[sflag:s22] =	ssyncadd.s32 s3;
	_ =	sdelay $0x1  }
0xa1: {  	s23 =	simm.s32 $0x1B8B  }
0xa2: {  	_ =	swait.ge [sflag:s23], $0x1  }
0xa3: {  	[sflag:s23] =	ssyncset.done $0x0  }
0xa4: {  	s25 =	simm.s32 $0x1B8E;
	s24 =	sld [smem:$0x3FFE];
	[sflag:s23] =	ssyncadd.s32 $0xFFFFFFFF  }
0xa5: {  	s26 =	simm.s32 $execute0_lowered;
	[smem:$0x3FD2] =	sst s25  }
0xa6: {  	s4 =	sshll.u32 s26, $0x1;
	_ =	strace $0x80000046;
	[dreg:$0x1] =	wrdreg $0xFFFFFFFF  }
0xa7: {  	s28 =	simm.s32 $_size_execute0_lowered;
	s2 =	sadd.s32 s2, s4;
	[dreg:$0x0] =	wrdreg $0x0  }
0xa8: {  	s4 =	sshll.u32 s28, $0x1;
	[dreg:$0x2] =	wrdreg s2  }
0xa9: {  	[dreg:$0x3] =	wrdreg s4  }
0xaa: {  	[dreg:$0x4] =	wrdreg $0xC0  }
0xab: {  	_ =	task [dreg:s6], $0x5FFFF  }
0xac: {  	[dreg:$0x1] =	wrdreg $0xFFFFFFFF  }
0xad: {  	[dreg:$0x0] =	wrdreg $0x60  }
0xae: {  	[dreg:$0x2] =	wrdreg s24  }
0xaf: {  	[dreg:$0x3] =	wrdreg $0x9  }
0xb0: {  	_ =	task.clear_ibuf [dreg:s6], $0x4FFFF;
	_ =	strace $0x90000046  }
0xb1: {  	s29 =	simm.s32 $0x9;
	_ =	strace $0x80000048  }
0xb2: {  	_ =	swait.ge [sflag:s29], $0x1  }
0xb3: {  	[sflag:s29] =	ssyncadd.s32 $0xFFFFFFFF  }
0xb4: {  	_ =	strace $0x90000048  }
0xb5: {  	_ =	sfence  }
0xb6: {  	s30 =	sld [smem:$0x0];
	_ =	sdelay $0x2  }
0xb7: {  	s31 =	sshll.u32 s1, $0xD;
	s1 =	sshrl.u32 s1, $0x2  }
0xb8: {  	s3 =	sand.u32 $0x4000, s31;
	s1 =	sadd.s32 s1, s30  }
0xb9: {  	s0 =	sor.u32 s3, s0;
	s1 =	sshll.u32 s1, $0x11  }
0xba: {  	s0 =	sor.u32 s1, s0  }
0xbb: {  	s0 =	sadd.s32 $0x8F2B, s0  }
0xbc: {  	[sflag:s0] =	ssyncadd.remote.s32 $0x1  }
0xbd: {  	_ =	sfence.sel $0xFFFF  }
0xbe: {  	[dreg:$0x0] =	wrdreg $0xFFFFFFFF;
	(pc) =	sbr.abs _section_cstart, $3  }
0xbf: {  	[dreg:$0x1] =	wrdreg $0xFFFFFFFF  }
0xc0: {  	_ =	task.clear_ibuf [dreg:s6], $0x2FFFF;
	_ =	strace $0x9FFFFFFF  }
0xc1: {  	(tm) =	ssettm $0x7FFFFFFF  }
tec
execute0_lowered:
.L_overlay_start_1:
0x0: {  	(tag) =	ssettag $0x1  }
0x1: {  	s0 =	rddreg [dreg:$0x0]  }
0x2: {  	s1 =	simm.s32 $0x0;
	s25 =	srdreg.scid;
	s6 =	stileid.u32  }
0x3: {  	s9 =	simm.s32 $0x2;
	s12 =	simm.s32 $0x80;
	s28 =	simm.s32 $0x400  }
0x4: {  	s29 =	simm.s32 $0x5800;
	s30 =	simm.s32 $0x480;
	s31 =	simm.s32 $0x6000  }
0x5: {  	s10 =	simm.s32 $0x600;
	s11 =	simm.s32 $0x7800;
	s13 =	simm.s32 $0x680  }
0x6: {  	s14 =	simm.s32 $0x8000;
	s15 =	simm.s32 $0x700;
	s16 =	simm.s32 $0x8800  }
0x7: {  	s17 =	simm.s32 $0x780;
	s18 =	simm.s32 $0x9000;
	s19 =	simm.s32 $0x1  }
0x8: {  	s20 =	simm.s32 $0x9800;
	s22 =	simm.s32 $0x0;
	[smem:$0x7FF] =	sst s1  }
0x9: {  	s3 =	sadd.s32 $0x1400, s0;
	s1 =	sand.u32 $0x1, s25;
	s4 =	sadd.s32 $0x33400, s0  }
0xa: {  	s5 =	sadd.s32 $0x65400, s0;
	s8 =	sshll.u32 s6, $0x1;
	s2 =	ssub.s32 $0x2, s1  }
0xb: {  	s6 =	sadd.s32 $0x97400, s0;
	_ =	strace $0x80000047;
	s7 =	sshrl.u32 s2, $0x1  }
0xc: {  	s1 =	sor.u32 s1, s8;
	s8 =	simm.s32 $0x580;
	s26 =	ssub.s32 s2, s7  }
0xd: {  	s7 =	smul.u32 $0x19, s1;
	s2 =	simm.s32 $0x6800;
	s0 =	smax.u32 s26, $0x1  }
0xe: {  	s1 =	simm.s32 $0x7000;
	[dreg:$0x2] =	wrdreg s0;
	s0 =	simm.s32 $0x500  }
.LBB2_1:
0xf: {  	[dreg:$0x3] =	wrdreg s22;
	s21 =	simm.s32 $0x0  }
.LBB2_2:
0x10: {  	s22 =	sadd.s32 s7, s21  }
0x11: {  	s22 =	sshll.u32 s22, $0x8  }
0x12: {  	s24 =	simm.s32 $0x0;
	s23 =	sadd.s32 s4, s22  }
0x13: {  	[tilespmem:s24], [sflag:$0x2] =	stream.linear.gather [hbm4b:s23+s24], $0x800, $0x38;
	[tilespmem:$0xA000] =	vst v63  }
0x14: {  	_ =	swait.ge [sflag:s9], $0x800  }
0x15: {  	[sflag:s9] =	ssyncset.done $0x0  }
0x16: {  	s25 =	simm.s32 $0x800;
	s26 =	sadd.s32 s5, s22;
	[sflag:s9] =	ssyncadd.s32 $0xFFFFF800  }
0x17: {  	[tilespmem:s25], [sflag:$0x2] =	stream.linear.gather [hbm4b:s26+s24], $0x800, $0x38;
	[tilespmem:$0xA000] =	vst v63  }
0x18: {  	_ =	swait.ge [sflag:s9], $0x800  }
0x19: {  	[sflag:s9] =	ssyncset.done $0x0  }
0x1a: {  	s25 =	sadd.s32 s3, s22;
	s26 =	simm.s32 $0x1000;
	[sflag:s9] =	ssyncadd.s32 $0xFFFFF800  }
0x1b: {  	[tilespmem:s26], [sflag:$0x2] =	stream.linear.gather [hbm4b:s25+s24], $0x800, $0x38;
	[tilespmem:$0xA000] =	vst v63  }
0x1c: {  	_ =	swait.ge [sflag:s9], $0x800  }
0x1d: {  	[sflag:s9] =	ssyncset.done $0x0  }
0x1e: {  	s26 =	simm.s32 $0x1800;
	[sflag:s9] =	ssyncadd.s32 $0xFFFFF800  }
0x1f: {  	[tilespmem:s26], [sflag:$0x1] =	stream.indirect.gather [hbm4b:s3+s12], $0x10, s24, s12, $0xb8;
	[tilespmem:$0xA000] =	vst v63  }
0x20: {  	s24 =	simm.s32 $0x2000  }
0x21: {  	[tilespmem:s24], [sflag:$0x1] =	stream.indirect.gather [hbm4b:s3+s12], $0x10, s12, s12, $0xb8;
	[tilespmem:$0xA000] =	vst v63  }
0x22: {  	s25 =	simm.s32 $0x100;
	s26 =	simm.s32 $0x2800  }
0x23: {  	[tilespmem:s26], [sflag:$0x1] =	stream.indirect.gather [hbm4b:s3+s12], $0x10, s25, s12, $0xb8;
	[tilespmem:$0xA000] =	vst v63  }
0x24: {  	s25 =	simm.s32 $0x180;
	s26 =	simm.s32 $0x3000  }
0x25: {  	[tilespmem:s26], [sflag:$0x1] =	stream.indirect.gather [hbm4b:s3+s12], $0x10, s25, s12, $0xb8;
	[tilespmem:$0xA000] =	vst v63  }
0x26: {  	s25 =	simm.s32 $0x200;
	s26 =	simm.s32 $0x3800  }
0x27: {  	[tilespmem:s26], [sflag:$0x1] =	stream.indirect.gather [hbm4b:s3+s12], $0x10, s25, s12, $0xb8;
	[tilespmem:$0xA000] =	vst v63  }
0x28: {  	s25 =	simm.s32 $0x280;
	s26 =	simm.s32 $0x4000  }
0x29: {  	[tilespmem:s26], [sflag:$0x1] =	stream.indirect.gather [hbm4b:s3+s12], $0x10, s25, s12, $0xb8;
	[tilespmem:$0xA000] =	vst v63  }
0x2a: {  	s25 =	simm.s32 $0x300;
	s26 =	simm.s32 $0x4800  }
0x2b: {  	[tilespmem:s26], [sflag:$0x1] =	stream.indirect.gather [hbm4b:s3+s12], $0x10, s25, s12, $0xb8;
	[tilespmem:$0xA000] =	vst v63  }
0x2c: {  	s25 =	simm.s32 $0x380;
	s26 =	simm.s32 $0x5000  }
0x2d: {  	[tilespmem:s26], [sflag:$0x1] =	stream.indirect.gather [hbm4b:s3+s12], $0x10, s25, s12, $0xb8;
	[tilespmem:$0xA000] =	vst v63  }
0x2e: {  	_ = 	snop  }
0x2f: {  	[tilespmem:s29], [sflag:$0x1] =	stream.indirect.gather [hbm4b:s3+s12], $0x10, s28, s12, $0xb8;
	[tilespmem:$0xA000] =	vst v63  }
0x30: {  	_ = 	snop  }
0x31: {  	[tilespmem:s31], [sflag:$0x1] =	stream.indirect.gather [hbm4b:s3+s12], $0x10, s30, s12, $0xb8;
	[tilespmem:$0xA000] =	vst v63  }
0x32: {  	_ = 	snop  }
0x33: {  	[tilespmem:s2], [sflag:$0x1] =	stream.indirect.gather [hbm4b:s3+s12], $0x10, s0, s12, $0xb8;
	[tilespmem:$0xA000] =	vst v63  }
0x34: {  	_ = 	snop  }
0x35: {  	[tilespmem:s1], [sflag:$0x1] =	stream.indirect.gather [hbm4b:s3+s12], $0x10, s8, s12, $0xb8;
	[tilespmem:$0xA000] =	vst v63  }
0x36: {  	_ = 	snop  }
0x37: {  	[tilespmem:s11], [sflag:$0x1] =	stream.indirect.gather [hbm4b:s3+s12], $0x10, s10, s12, $0xb8;
	[tilespmem:$0xA000] =	vst v63  }
0x38: {  	_ = 	snop  }
0x39: {  	[tilespmem:s14], [sflag:$0x1] =	stream.indirect.gather [hbm4b:s3+s12], $0x10, s13, s12, $0xb8;
	[tilespmem:$0xA000] =	vst v63  }
0x3a: {  	_ = 	snop  }
0x3b: {  	[tilespmem:s16], [sflag:$0x1] =	stream.indirect.gather [hbm4b:s3+s12], $0x10, s15, s12, $0xb8;
	[tilespmem:$0xA000] =	vst v63  }
0x3c: {  	_ = 	snop  }
0x3d: {  	[tilespmem:s18], [sflag:$0x1] =	stream.indirect.gather [hbm4b:s3+s12], $0x10, s17, s12, $0xb8;
	[tilespmem:$0xA000] =	vst v63  }
0x3e: {  	_ =	swait.ge [sflag:s19], $0x800  }
0x3f: {  	[sflag:s19] =	ssyncset.done $0x0  }
0x40: {  	[sflag:s19] =	ssyncadd.s32 $0xFFFFF800  }
0x41: {  	_ =	swait.ge [sflag:s19], $0x800  }
0x42: {  	[sflag:s19] =	ssyncset.done $0x0  }
0x43: {  	[sflag:s19] =	ssyncadd.s32 $0xFFFFF800  }
0x44: {  	_ =	swait.ge [sflag:s19], $0x800  }
0x45: {  	[sflag:s19] =	ssyncset.done $0x0  }
0x46: {  	[sflag:s19] =	ssyncadd.s32 $0xFFFFF800  }
0x47: {  	_ =	swait.ge [sflag:s19], $0x800  }
0x48: {  	[sflag:s19] =	ssyncset.done $0x0  }
0x49: {  	[sflag:s19] =	ssyncadd.s32 $0xFFFFF800  }
0x4a: {  	_ =	swait.ge [sflag:s19], $0x800  }
0x4b: {  	[sflag:s19] =	ssyncset.done $0x0  }
0x4c: {  	[sflag:s19] =	ssyncadd.s32 $0xFFFFF800  }
0x4d: {  	_ =	swait.ge [sflag:s19], $0x800  }
0x4e: {  	[sflag:s19] =	ssyncset.done $0x0  }
0x4f: {  	[sflag:s19] =	ssyncadd.s32 $0xFFFFF800  }
0x50: {  	_ =	swait.ge [sflag:s19], $0x800  }
0x51: {  	[sflag:s19] =	ssyncset.done $0x0  }
0x52: {  	[sflag:s19] =	ssyncadd.s32 $0xFFFFF800  }
0x53: {  	_ =	swait.ge [sflag:s19], $0x800  }
0x54: {  	[sflag:s19] =	ssyncset.done $0x0  }
0x55: {  	[sflag:s19] =	ssyncadd.s32 $0xFFFFF800  }
0x56: {  	_ =	swait.ge [sflag:s19], $0x800  }
0x57: {  	[sflag:s19] =	ssyncset.done $0x0  }
0x58: {  	[sflag:s19] =	ssyncadd.s32 $0xFFFFF800  }
0x59: {  	_ =	swait.ge [sflag:s19], $0x800  }
0x5a: {  	[sflag:s19] =	ssyncset.done $0x0  }
0x5b: {  	[sflag:s19] =	ssyncadd.s32 $0xFFFFF800  }
0x5c: {  	_ =	swait.ge [sflag:s19], $0x800  }
0x5d: {  	[sflag:s19] =	ssyncset.done $0x0  }
0x5e: {  	[sflag:s19] =	ssyncadd.s32 $0xFFFFF800  }
0x5f: {  	_ =	swait.ge [sflag:s19], $0x800  }
0x60: {  	[sflag:s19] =	ssyncset.done $0x0  }
0x61: {  	[sflag:s19] =	ssyncadd.s32 $0xFFFFF800  }
0x62: {  	_ =	swait.ge [sflag:s19], $0x800  }
0x63: {  	[sflag:s19] =	ssyncset.done $0x0  }
0x64: {  	[sflag:s19] =	ssyncadd.s32 $0xFFFFF800  }
0x65: {  	_ =	swait.ge [sflag:s19], $0x800  }
0x66: {  	[sflag:s19] =	ssyncset.done $0x0  }
0x67: {  	[sflag:s19] =	ssyncadd.s32 $0xFFFFF800  }
0x68: {  	_ =	swait.ge [sflag:s19], $0x800  }
0x69: {  	[sflag:s19] =	ssyncset.done $0x0  }
0x6a: {  	[sflag:s19] =	ssyncadd.s32 $0xFFFFF800  }
0x6b: {  	_ =	swait.ge [sflag:s19], $0x800  }
0x6c: {  	[sflag:s19] =	ssyncset.done $0x0  }
0x6d: {  	s24 =	simm.s32 $0x0;
	[sflag:s19] =	ssyncadd.s32 $0xFFFFF800  }
0x6e: {  	v0 =	vld [tilespmem:s24+$0x800]  }
0x6f: {  	s23 =	simm.s32 $0x1880  }
0x70: {  	v1 =	vld [tilespmem:s23+$0xFFFFFF80]  }
0x71: {  	v2 =	vld [tilespmem:s24+$0x1000]  }
0x72: {  	v3 =	vld [tilespmem:s23+$0xFFFFFF90]  }
0x73: {  	v4 =	vbroadcast v0, $0x0  }
0x74: {  	v5 =	vld [tilespmem:s23+$0xFFFFFFA0]  }
0x75: {  	v51 =	vbroadcast v0, $0x1;
	v1 =	vmul.f32 v1, v4  }
0x76: {  	v6 =	vld [tilespmem:s23+$0xFFFFFFB0]  }
0x77: {  	v1 =	vadd.f32 v1, v2;
	v2 =	vmul.f32 v3, v51;
	v3 =	vbroadcast v0, $0x2  }
0x78: {  	v52 =	vld [tilespmem:s23+$0xFFFFFFC0]  }
0x79: {  	v1 =	vadd.f32 v2, v1;
	v2 =	vmul.f32 v5, v3;
	v3 =	vbroadcast v0, $0x3  }
0x7a: {  	v53 =	vld [tilespmem:s23+$0xFFFFFFD0]  }
0x7b: {  	v1 =	vadd.f32 v2, v1;
	v2 =	vmul.f32 v6, v3;
	v3 =	vbroadcast v0, $0x4  }
0x7c: {  	v54 =	vld [tilespmem:s23+$0xFFFFFFE0]  }
0x7d: {  	v1 =	vadd.f32 v2, v1;
	v2 =	vmul.f32 v52, v3;
	v3 =	vbroadcast v0, $0x5  }
0x7e: {  	v55 =	vld [tilespmem:s23+$0xFFFFFFF0]  }
0x7f: {  	v1 =	vadd.f32 v2, v1;
	v2 =	vmul.f32 v53, v3;
	v3 =	vbroadcast v0, $0x6  }
0x80: {  	v56 =	vld [tilespmem:s23+$0x0]  }
0x81: {  	v1 =	vadd.f32 v2, v1;
	v2 =	vmul.f32 v54, v3;
	v3 =	vbroadcast v0, $0x7  }
0x82: {  	v57 =	vld [tilespmem:s23+$0x10]  }
0x83: {  	v1 =	vadd.f32 v2, v1;
	v2 =	vmul.f32 v55, v3;
	v3 =	vbroadcast v0, $0x8  }
0x84: {  	v58 =	vld [tilespmem:s23+$0x20]  }
0x85: {  	v1 =	vadd.f32 v2, v1;
	v2 =	vmul.f32 v56, v3;
	v3 =	vbroadcast v0, $0x9  }
0x86: {  	v59 =	vld [tilespmem:s23+$0x30]  }
0x87: {  	v1 =	vadd.f32 v2, v1;
	v2 =	vmul.f32 v57, v3;
	v3 =	vbroadcast v0, $0xA  }
0x88: {  	v60 =	vld [tilespmem:s23+$0x40]  }
0x89: {  	v1 =	vadd.f32 v2, v1;
	v2 =	vmul.f32 v58, v3;
	v3 =	vbroadcast v0, $0xB  }
0x8a: {  	v61 =	vld [tilespmem:s23+$0x50]  }
0x8b: {  	v1 =	vadd.f32 v2, v1;
	v2 =	vmul.f32 v59, v3;
	v3 =	vbroadcast v0, $0xC  }
0x8c: {  	v62 =	vld [tilespmem:s23+$0x60]  }
0x8d: {  	v1 =	vadd.f32 v2, v1;
	v2 =	vmul.f32 v60, v3;
	v3 =	vbroadcast v0, $0xD  }
0x8e: {  	v63 =	vld [tilespmem:s23+$0x70]  }
0x8f: {  	v1 =	vadd.f32 v2, v1;
	v2 =	vmul.f32 v61, v3;
	v3 =	vbroadcast v0, $0xE;
	_ =	sdelay $0x1  }
0x90: {  	v0 =	vbroadcast v0, $0xF;
	v1 =	vadd.f32 v2, v1;
	v2 =	vmul.f32 v62, v3;
	_ =	sdelay $0x1  }
0x91: {  	v0 =	vmul.f32 v63, v0;
	v1 =	vadd.f32 v2, v1;
	_ =	sdelay $0x1  }
0x92: {  	v0 =	vadd.f32 v0, v1;
	_ =	sdelay $0x1  }
0x93: {  	s26 =	simm.s32 $0x10;
	s25 =	simm.s32 $0x80;
	v0 =	vmul.f32 v0, v0  }
.LBB2_3:
0x94: {  	p0 =	sne.s32 s25, $0x1FC0;
	v1 =	vld [tilespmem:s26+$0x800]  }
0x95: {  	s23 =	sadd.s32 $0x100, s23;
	[tilespmem:s24+$0x9800] =	vst v0;
	s24 =	smov.u32 s26  }
0x96: {  	v0 =	vld [tilespmem:s23+$0xFFFFFF80]  }
0x97: {  	v2 =	vld [tilespmem:s24+$0x1000]  }
0x98: {  	v3 =	vld [tilespmem:s23+$0xFFFFFF90]  }
0x99: {  	v4 =	vbroadcast v1, $0x0  }
0x9a: {  	v5 =	vld [tilespmem:s23+$0xFFFFFFA0]  }
0x9b: {  	v0 =	vmul.f32 v0, v4;
	v4 =	vbroadcast v1, $0x1  }
0x9c: {  	v6 =	vld [tilespmem:s23+$0xFFFFFFB0]  }
0x9d: {  	v0 =	vadd.f32 v0, v2;
	v2 =	vmul.f32 v3, v4;
	v3 =	vbroadcast v1, $0x2  }
0x9e: {  	v4 =	vld [tilespmem:s23+$0xFFFFFFC0]  }
0x9f: {  	v0 =	vadd.f32 v2, v0;
	v2 =	vmul.f32 v5, v3;
	v3 =	vbroadcast v1, $0x3  }
0xa0: {  	v5 =	vld [tilespmem:s23+$0xFFFFFFD0]  }
0xa1: {  	v0 =	vadd.f32 v2, v0;
	v2 =	vmul.f32 v6, v3;
	v3 =	vbroadcast v1, $0x4  }
0xa2: {  	v6 =	vld [tilespmem:s23+$0xFFFFFFE0]  }
0xa3: {  	v0 =	vadd.f32 v2, v0;
	v2 =	vmul.f32 v4, v3;
	v3 =	vbroadcast v1, $0x5  }
0xa4: {  	v4 =	vld [tilespmem:s23+$0xFFFFFFF0]  }
0xa5: {  	v0 =	vadd.f32 v2, v0;
	v2 =	vmul.f32 v5, v3;
	v3 =	vbroadcast v1, $0x6  }
0xa6: {  	v5 =	vld [tilespmem:s23+$0x0]  }
0xa7: {  	v0 =	vadd.f32 v2, v0;
	v2 =	vmul.f32 v6, v3;
	v3 =	vbroadcast v1, $0x7  }
0xa8: {  	v6 =	vld [tilespmem:s23+$0x10]  }
0xa9: {  	v0 =	vadd.f32 v2, v0;
	v2 =	vmul.f32 v4, v3;
	v3 =	vbroadcast v1, $0x8  }
0xaa: {  	v4 =	vld [tilespmem:s23+$0x20]  }
0xab: {  	v0 =	vadd.f32 v2, v0;
	v2 =	vmul.f32 v5, v3;
	v3 =	vbroadcast v1, $0x9  }
0xac: {  	v5 =	vld [tilespmem:s23+$0x30]  }
0xad: {  	v0 =	vadd.f32 v2, v0;
	v2 =	vmul.f32 v6, v3;
	v3 =	vbroadcast v1, $0xA  }
0xae: {  	v6 =	vld [tilespmem:s23+$0x40]  }
0xaf: {  	v0 =	vadd.f32 v2, v0;
	v2 =	vmul.f32 v4, v3;
	v3 =	vbroadcast v1, $0xB  }
0xb0: {  	v4 =	vld [tilespmem:s23+$0x50]  }
0xb1: {  	v0 =	vadd.f32 v2, v0;
	v2 =	vmul.f32 v5, v3;
	v3 =	vbroadcast v1, $0xC  }
0xb2: {  	v5 =	vld [tilespmem:s23+$0x60]  }
0xb3: {  	v0 =	vadd.f32 v2, v0;
	v2 =	vmul.f32 v6, v3;
	v3 =	vbroadcast v1, $0xD  }
0xb4: {  	v6 =	vld [tilespmem:s23+$0x70]  }
0xb5: {  	v0 =	vadd.f32 v2, v0;
	v2 =	vmul.f32 v4, v3;
	v3 =	vbroadcast v1, $0xE;
	_ =	sdelay $0x1  }
0xb6: {  	v1 =	vbroadcast v1, $0xF;
	v0 =	vadd.f32 v2, v0;
	v2 =	vmul.f32 v5, v3;
	_ =	sdelay $0x1  }
.Ltmp0:
0xb7: {  	v0 =	vadd.f32 v2, v0;
	v1 =	vmul.f32 v6, v1;
	(pc) =	sbr.rel @p0 .LBB2_3-.Ltmp0, $3  }
0xb8: {  	_ = 	snop  }
0xb9: {  	v0 =	vadd.f32 v1, v0;
	_ =	sdelay $0x1  }
0xba: {  	s26 =	sshra.s32 s25, $0x2;
	s25 =	sadd.s32 $0x40, s25;
	v0 =	vmul.f32 v0, v0  }
0xbb: {  	v1 =	vld [tilespmem:s26+$0x800]  }
0xbc: {  	s23 =	sadd.s32 $0x100, s23;
	[tilespmem:s24+$0x9800] =	vst v0  }
0xbd: {  	v0 =	vld [tilespmem:s23+$0xFFFFFF80]  }
0xbe: {  	v2 =	vld [tilespmem:s26+$0x1000]  }
0xbf: {  	v3 =	vld [tilespmem:s23+$0xFFFFFF90]  }
0xc0: {  	v4 =	vbroadcast v1, $0x0  }
0xc1: {  	v5 =	vld [tilespmem:s23+$0xFFFFFFA0]  }
0xc2: {  	v24 =	vbroadcast v1, $0x1;
	v0 =	vmul.f32 v0, v4  }
0xc3: {  	v6 =	vld [tilespmem:s23+$0xFFFFFFB0]  }
0xc4: {  	v26 =	vbroadcast v1, $0x2;
	v25 =	vmul.f32 v3, v24;
	v0 =	vadd.f32 v0, v2  }
0xc5: {  	v27 =	vld [tilespmem:s23+$0xFFFFFFC0]  }
0xc6: {  	v29 =	vbroadcast v1, $0x3;
	v28 =	vmul.f32 v5, v26;
	v0 =	vadd.f32 v25, v0  }
0xc7: {  	v30 =	vld [tilespmem:s23+$0xFFFFFFD0]  }
0xc8: {  	v32 =	vbroadcast v1, $0x4;
	v31 =	vmul.f32 v6, v29;
	v0 =	vadd.f32 v28, v0  }
0xc9: {  	v33 =	vld [tilespmem:s23+$0xFFFFFFE0]  }
0xca: {  	v35 =	vbroadcast v1, $0x5;
	v34 =	vmul.f32 v27, v32;
	v0 =	vadd.f32 v31, v0  }
0xcb: {  	v36 =	vld [tilespmem:s23+$0xFFFFFFF0]  }
0xcc: {  	v38 =	vbroadcast v1, $0x6;
	v37 =	vmul.f32 v30, v35;
	v0 =	vadd.f32 v34, v0  }
0xcd: {  	v39 =	vld [tilespmem:s23+$0x0]  }
0xce: {  	v41 =	vbroadcast v1, $0x7;
	v40 =	vmul.f32 v33, v38;
	v0 =	vadd.f32 v37, v0  }
0xcf: {  	v42 =	vld [tilespmem:s23+$0x10]  }
0xd0: {  	v44 =	vbroadcast v1, $0x8;
	v43 =	vmul.f32 v36, v41;
	v0 =	vadd.f32 v40, v0  }
0xd1: {  	v45 =	vld [tilespmem:s23+$0x20]  }
0xd2: {  	v47 =	vbroadcast v1, $0x9;
	v46 =	vmul.f32 v39, v44;
	v0 =	vadd.f32 v43, v0  }
0xd3: {  	v48 =	vld [tilespmem:s23+$0x30]  }
0xd4: {  	v50 =	vbroadcast v1, $0xA;
	v49 =	vmul.f32 v42, v47;
	v0 =	vadd.f32 v46, v0  }
0xd5: {  	v51 =	vld [tilespmem:s23+$0x40]  }
0xd6: {  	v53 =	vbroadcast v1, $0xB;
	v52 =	vmul.f32 v45, v50;
	v0 =	vadd.f32 v49, v0  }
0xd7: {  	v54 =	vld [tilespmem:s23+$0x50]  }
0xd8: {  	v56 =	vbroadcast v1, $0xC;
	v55 =	vmul.f32 v48, v53;
	v0 =	vadd.f32 v52, v0  }
0xd9: {  	v57 =	vld [tilespmem:s23+$0x60]  }
0xda: {  	v59 =	vbroadcast v1, $0xD;
	v58 =	vmul.f32 v51, v56;
	v0 =	vadd.f32 v55, v0  }
0xdb: {  	v60 =	vld [tilespmem:s23+$0x70]  }
0xdc: {  	v62 =	vbroadcast v1, $0xE;
	v61 =	vmul.f32 v54, v59;
	v0 =	vadd.f32 v58, v0;
	_ =	sdelay $0x1  }
0xdd: {  	v1 =	vbroadcast v1, $0xF;
	v63 =	vmul.f32 v57, v62;
	v0 =	vadd.f32 v61, v0;
	_ =	sdelay $0x1  }
0xde: {  	v1 =	vmul.f32 v60, v1;
	v0 =	vadd.f32 v63, v0;
	_ =	sdelay $0x1  }
0xdf: {  	v0 =	vadd.f32 v1, v0;
	_ =	sdelay $0x1  }
0xe0: {  	s21 =	sadd.s32 $0x1, s21;
	v0 =	vmul.f32 v0, v0  }
0xe1: {  	p0 =	sne.s32 s21, $0x19  }
.Ltmp1:
0xe2: {  	s22 =	sadd.s32 s6, s22;
	[tilespmem:s26+$0x9800] =	vst v0;
	s26 =	simm.s32 $0x0;
	(pc) =	sbr.rel @p0 .LBB2_2-.Ltmp1, $4  }
0xe3: {  	[hbm4b:s22+s26] =	stream.linear.scatter [tilespmem:s20], [sflag:$0x2], $0x800, $0x38;
	[tilespmem:$0xA000] =	vst v63  }
0xe4: {  	_ =	swait.ge [sflag:s9], $0x800  }
0xe5: {  	[sflag:s9] =	ssyncset.done $0x0  }
0xe6: {  	[sflag:s9] =	ssyncadd.s32 $0xFFFFF800  }
0xe7: {  	s22 =	rddreg [dreg:$0x3]  }
0xe8: {  	s21 =	rddreg [dreg:$0x2];
	s22 =	sadd.s32 $0x1, s22  }
0xe9: {  	p0 =	sne.s32 s22, s21  }
.Ltmp2:
0xea: {  	_ = 	snop;
	(pc) =	sbr.rel @p0 .LBB2_1-.Ltmp2, $1  }
0xeb: {  	_ =	sdelay $0x3  }
0xec: {  	_ =	sfence.sel $0x180000  }
0xed: {  	[bflag:$0x0] =	sbarrier.arrive $0xFFFF  }
0xee: {  	_ =	strace $0x90000047  }
0xef: {  	s0 =	stileid.u32;
	[bflag:$0x2] =	sbarrier.arrive $0xFFFF  }
0xf0: {  	p0 =	sne.s32 s0, $0x0;
	s0 =	rddreg [dreg:$0x1]  }
0xf1: {  	s0 =	sadd.s32 @!p0 $0x100000, s0  }
0xf2: {  	[sflag:s0] =	ssyncadd.tile.s32 @!p0 $0x1;
	_ =	shalt  }
.Lfunc_end2:
_tile_overlayer_lowered:
.L_overlay_start_2:
0xf3: {  	(tag) =	ssettag $0x2  }
0xf4: {  	s0 =	rddreg [dreg:$0x0];
	s2 =	stileid.u32  }
0xf5: {  	s1 =	rddreg [dreg:$0x1];
	p0 =	sne.s32 s2, $0x0  }
0xf6: {  	s3 =	rddreg [dreg:$0x2];
	[bflag:$0x3] =	sbarrier.arrive $0xFFFF;
	s2 =	simm.s32 @!p0 $0x1C02  }
0xf7: {  	[timem:s3], [sflag:s2] =	dma.local @!p0 [hbm:s0], s1  }
0xf8: {  	s0 =	simm.s32 @!p0 $0x2  }
0xf9: {  	_ =	swait.ge @!p0 [sflag:s0], s1  }
0xfa: {  	s1 =	ssub.s32 @!p0 $0x0, s1;
	[sflag:s0] =	ssyncset.done @!p0 $0x0  }
0xfb: {  	[sflag:s0] =	ssyncadd.s32 @!p0 s1  }
0xfc: {  	[bflag:$0x3] =	sbarrier.arrive $0xFFFF  }
0xfd: {  	_ =	shalt  }

</sc_bundles>
